<compile_context>
chip_gen: v7x
topology: tpu7x:2x2x1
jax: 0.10.2.dev20260603
libtpu: 0.0.44.dev20260713+nightly
codegen_flags: <defaults>
</compile_context>

<pallas_src>
import jax
import jax.numpy as jnp
from jax.experimental import pallas as pl
from jax.experimental.pallas import tpu as pltpu

_NUM_PRIORS = 20000
_NUM_CLASSES = 21
_CONF_THRESH = 0.01
_NMS_THRESH = 0.45
_TOP_K = 200
_PRE_NMS = 4096
_FAST_K = 512
_V0, _V1 = 0.1, 0.2

_T = 128


def _prep_kernel(loc_ref, pri_ref, conf_ref,
                 boxes_ref, scores_ref, mmax_ref, maxc_ref):
    l0 = loc_ref[0:1, :]
    l1 = loc_ref[1:2, :]
    l2 = loc_ref[2:3, :]
    l3 = loc_ref[3:4, :]
    p0 = pri_ref[0:1, :]
    p1 = pri_ref[1:2, :]
    p2 = pri_ref[2:3, :]
    p3 = pri_ref[3:4, :]
    cx = p0 + (l0 * _V0) * p2
    cy = p1 + (l1 * _V0) * p3
    w = p2 * jnp.exp(l2 * _V1)
    h = p3 * jnp.exp(l3 * _V1)
    x1 = cx - w / 2.0
    y1 = cy - h / 2.0
    x2 = x1 + w
    y2 = y1 + h
    boxes_ref[0:1, :] = x1
    boxes_ref[1:2, :] = y1
    boxes_ref[2:3, :] = x2
    boxes_ref[3:4, :] = y2
    sc = conf_ref[1:_NUM_CLASSES, :]
    sm = jnp.where(sc > _CONF_THRESH, sc, 0.0)
    scores_ref[...] = sm
    mmax_ref[...] = jnp.max(sm, axis=0, keepdims=True)
    rowmax = jnp.max(sc, axis=0, keepdims=True)
    mx = jnp.maximum(jnp.maximum(x1, y1), jnp.maximum(x2, y2))
    masked = jnp.where(rowmax > _CONF_THRESH, mx, -jnp.inf)
    maxc_ref[...] = jnp.max(masked, axis=1, keepdims=True)


def _iou_tile(rx1, ry1, rx2, ry2, rarea, cx1, cy1, cx2, cy2, carea):
    ltx = jnp.maximum(rx1, cx1)
    lty = jnp.maximum(ry1, cy1)
    rbx = jnp.minimum(rx2, cx2)
    rby = jnp.minimum(ry2, cy2)
    wi = jnp.maximum(rbx - ltx, 0.0)
    hi = jnp.maximum(rby - lty, 0.0)
    inter = wi * hi
    return inter / (rarea + carea - inter + 1e-12)


def _make_nms_kernel(n_cand):
    nb = n_cand // _T

    def _nms_kernel(brow_ref, bcol_ref, keep_ref, supblk_ref, kblk_ref):
        keep_ref[...] = jnp.ones((1, n_cand), jnp.float32)
        lane = jax.lax.broadcasted_iota(jnp.int32, (1, _T), 1)

        def block_cond(carry):
            j, cnt = carry
            return jnp.logical_and(j < nb, cnt < _TOP_K)

        def block_body(carry):
            j, cnt = carry
            base = pl.multiple_of(j * _T, _T)
            rx1 = bcol_ref[pl.ds(base, _T), 0:1]
            ry1 = bcol_ref[pl.ds(base, _T), 1:2]
            rx2 = bcol_ref[pl.ds(base, _T), 2:3]
            ry2 = bcol_ref[pl.ds(base, _T), 3:4]
            rarea = (rx2 - rx1) * (ry2 - ry1)
            cx1 = brow_ref[0:1, pl.ds(base, _T)]
            cy1 = brow_ref[1:2, pl.ds(base, _T)]
            cx2 = brow_ref[2:3, pl.ds(base, _T)]
            cy2 = brow_ref[3:4, pl.ds(base, _T)]
            carea = (cx2 - cx1) * (cy2 - cy1)
            iou_bb = _iou_tile(rx1, ry1, rx2, ry2, rarea,
                               cx1, cy1, cx2, cy2, carea)
            supblk_ref[...] = jnp.where(iou_bb > _NMS_THRESH, 1.0, 0.0)
            kblk_ref[...] = keep_ref[0:1, pl.ds(base, _T)]

            def scan_body(i, _):
                row = supblk_ref[pl.ds(i, 1), :]
                kb_i = kblk_ref[...]
                alive = jnp.max(jnp.where(lane == i, kb_i, 0.0),
                                axis=1, keepdims=True)
                sup = (row > 0.5) & (alive > 0.5) & (lane > i)
                kblk_ref[...] = jnp.where(sup, 0.0, kb_i)
                return 0

            jax.lax.fori_loop(0, _T, scan_body, 0, unroll=False)
            kb = kblk_ref[...]
            keep_ref[0:1, pl.ds(base, _T)] = kb

            def chunk_body(c, _):
                s = pl.multiple_of(base + _T + c * _T, _T)
                ccx1 = brow_ref[0:1, pl.ds(s, _T)]
                ccy1 = brow_ref[1:2, pl.ds(s, _T)]
                ccx2 = brow_ref[2:3, pl.ds(s, _T)]
                ccy2 = brow_ref[3:4, pl.ds(s, _T)]
                carea2 = (ccx2 - ccx1) * (ccy2 - ccy1)
                iou_c = _iou_tile(rx1, ry1, rx2, ry2, rarea,
                                  ccx1, ccy1, ccx2, ccy2, carea2)
                supf = jnp.where(iou_c > _NMS_THRESH, 1.0, 0.0)
                supped = jax.lax.dot_general(
                    kb, supf, (((1,), (0,)), ((), ())),
                    preferred_element_type=jnp.float32)
                cur = keep_ref[0:1, pl.ds(s, _T)]
                keep_ref[0:1, pl.ds(s, _T)] = jnp.where(supped > 0.0, 0.0,
                                                        cur)
                return 0

            jax.lax.fori_loop(0, nb - 1 - j, chunk_body, 0, unroll=False)
            cnt = cnt + jnp.sum(kb).astype(jnp.int32)
            return (j + 1, cnt)

        jax.lax.while_loop(block_cond, block_body,
                           (jnp.int32(0), jnp.int32(0)))

    return _nms_kernel


def _run_nms(bsel, n_cand):
    keep = pl.pallas_call(
        _make_nms_kernel(n_cand),
        out_shape=jax.ShapeDtypeStruct((1, n_cand), jnp.float32),
        scratch_shapes=[
            pltpu.VMEM((_T, _T), jnp.float32),
            pltpu.VMEM((1, _T), jnp.float32),
        ],
    )(bsel.T, bsel)
    return keep[0] > 0.5


def _assemble(boxes, conf_data, top_scores, order, keep_b):
    ranked = jnp.where(keep_b, top_scores, -jnp.inf)
    _, k2 = jax.lax.top_k(ranked, _TOP_K)
    fidx = order[k2]
    p2 = fidx // (_NUM_CLASSES - 1)
    c2 = fidx % (_NUM_CLASSES - 1) + 1
    out_boxes = boxes[p2]
    out_scores = conf_data[p2, c2]
    out_labels = c2.astype(jnp.float32)
    return jnp.concatenate(
        [out_labels[:, None], out_scores[:, None], out_boxes], axis=1)


@jax.jit
def _detect(loc_data, conf_data, prior_data):
    locT = loc_data[0].T
    priT = prior_data.T
    confT = conf_data.T
    boxesT, scoresT, mmax, maxc = pl.pallas_call(
        _prep_kernel,
        out_shape=(
            jax.ShapeDtypeStruct((4, _NUM_PRIORS), jnp.float32),
            jax.ShapeDtypeStruct((_NUM_CLASSES - 1, _NUM_PRIORS), jnp.float32),
            jax.ShapeDtypeStruct((1, _NUM_PRIORS), jnp.float32),
            jax.ShapeDtypeStruct((1, 1), jnp.float32),
        ),
    )(locT, priT, confT)
    boxes = boxesT.T
    scores_flat = scoresT.T.reshape(-1)
    maxc_s = maxc[0, 0]
    nc1 = _NUM_CLASSES - 1

    _, p512 = jax.lax.top_k(mmax[0], _FAST_K)
    sub = scoresT[:, p512]
    subflat = sub.T.reshape(-1)
    gflat = (p512[:, None] * nc1
             + jnp.arange(nc1, dtype=p512.dtype)[None, :]).reshape(-1)
    v2, s2 = jax.lax.top_k(subflat, _FAST_K)
    cand_idx = gflat[s2]
    negv_s, order_f = jax.lax.sort((-v2, cand_idx), num_keys=2)
    ts_f = -negv_s
    v_last = ts_f[_FAST_K - 1]
    n_ge = jnp.sum((scores_flat >= v_last).astype(jnp.int32))
    sel_ok = n_ge == _FAST_K

    off_f = (order_f % nc1 + 1).astype(jnp.float32) * (maxc_s + 1.0)
    bsel_f = boxes[order_f // nc1] + off_f[:, None]
    keep_f = _run_nms(bsel_f, _FAST_K)
    enough = jnp.sum(keep_f.astype(jnp.int32)) >= _TOP_K
    fast_ok = jnp.logical_and(sel_ok, enough)

    def fast_branch(args):
        bxs, conf, ts, orf, kf, _sf = args
        return _assemble(bxs, conf, ts, orf, kf)

    def full_branch(args):
        bxs, conf, _ts, _orf, _kf, sf = args
        top_scores, order = jax.lax.top_k(sf, _PRE_NMS)
        off = (order % nc1 + 1).astype(jnp.float32) * (maxc_s + 1.0)
        bsel = bxs[order // nc1] + off[:, None]
        keep_b = _run_nms(bsel, _PRE_NMS)
        return _assemble(bxs, conf, top_scores, order, keep_b)

    return jax.lax.cond(fast_ok, fast_branch, full_branch,
                        (boxes, conf_data, ts_f, order_f, keep_f,
                         scores_flat))


def kernel(loc_data, conf_data, prior_data):
    return _detect(loc_data, conf_data, prior_data)

# --- scband reference (transcript-rebuilt; emitter-appended) ---
"""Pipeline reference for scband-detect-33234456937117 (READ-ONLY COPY).

The authoritative reference and input builder live on the scoring server;
editing this copy changes nothing except your own understanding.
"""

import jax, jax.numpy as jnp
import numpy as np

NUM_PRIORS = 20000
NUM_CLASSES = 21
CONF_THRESH = 0.01
NMS_THRESH = 0.45
TOP_K = 200
PRE_NMS = 4096
V0, V1 = 0.1, 0.2


def _decode(loc, priors):
    # standard SSD decode with variance (0.1, 0.2); priors are (cx, cy, w, h)
    cxcy = priors[:, :2] + loc[:, :2] * V0 * priors[:, 2:]
    wh = priors[:, 2:] * jnp.exp(loc[:, 2:] * V1)
    xy1 = cxcy - wh / 2.0
    xy2 = xy1 + wh
    return jnp.concatenate([xy1, xy2], axis=1)


def _nms_keep(iou, thresh):
    n = iou.shape[0]
    idx = jnp.arange(n)

    def body(i, keep):
        sup = (iou[i] > thresh) & keep[i] & (idx > i)
        return keep & (~sup)

    return jax.lax.fori_loop(0, n, body, jnp.ones((n,), dtype=bool))


def _forward(loc_data, conf_data, prior_data):
    scores_all = conf_data.reshape(NUM_PRIORS, NUM_CLASSES)
    boxes = _decode(loc_data[0], prior_data)
    boxes_e = jnp.broadcast_to(boxes[:, None, :], (NUM_PRIORS, NUM_CLASSES, 4))
    labels_e = jnp.broadcast_to(jnp.arange(NUM_CLASSES)[None, :], (NUM_PRIORS, NUM_CLASSES))
    # drop background class 0
    boxes_f = boxes_e[:, 1:, :].reshape(-1, 4)
    scores_f = scores_all[:, 1:].reshape(-1)
    labels_f = labels_e[:, 1:].reshape(-1)
    # confidence threshold via masking (static shapes) instead of nonzero filtering
    mask = scores_f > CONF_THRESH
    scores_m = jnp.where(mask, scores_f, 0.0)
    max_coordinate = jnp.max(jnp.where(mask[:, None], boxes_f, -jnp.inf))
    offsets = labels_f.astype(boxes_f.dtype) * (max_coordinate + 1.0)
    boxes_nms = boxes_f + offsets[:, None]
    # pre-NMS top-k for tractability (only top-200 survive anyway)
    top_scores, order = jax.lax.top_k(scores_m, PRE_NMS)
    b = boxes_nms[order]
    area = (b[:, 2] - b[:, 0]) * (b[:, 3] - b[:, 1])
    lt = jnp.maximum(b[:, None, :2], b[None, :, :2])
    rb = jnp.minimum(b[:, None, 2:], b[None, :, 2:])
    whi = jnp.clip(rb - lt, 0.0, None)
    inter = whi[..., 0] * whi[..., 1]
    iou = inter / (area[:, None] + area[None, :] - inter + 1e-12)
    keep = _nms_keep(jax.lax.stop_gradient(iou), NMS_THRESH)
    ranked = jnp.where(keep, top_scores, -jnp.inf)
    _, k2 = jax.lax.top_k(jax.lax.stop_gradient(ranked), TOP_K)
    final_idx = order[k2]
    out_boxes = boxes_f[final_idx]
    out_scores = scores_f[final_idx]
    out_labels = labels_f[final_idx].astype(jnp.float32)
    return jnp.concatenate([out_labels[:, None], out_scores[:, None], out_boxes], axis=1)


def setup_inputs(seed: int = 0):
    key = jax.random.key(seed)
    k1, k2, k3, k4 = jax.random.split(key, 4)
    loc_data = jax.random.normal(k1, (1, NUM_PRIORS, 4), dtype=jnp.float32) * 0.5
    conf_data = jax.random.uniform(k2, (NUM_PRIORS, NUM_CLASSES), dtype=jnp.float32)
    centers = jax.random.uniform(k3, (NUM_PRIORS, 2), minval=0.05, maxval=0.95)
    wh = jax.random.uniform(k4, (NUM_PRIORS, 2), minval=0.02, maxval=0.3)
    prior_data = jnp.concatenate([centers, wh], axis=1).astype(jnp.float32)
    return {"loc_data": loc_data, "conf_data": conf_data, "prior_data": prior_data}


def reference(loc_data, conf_data, prior_data):
    return _forward(loc_data, conf_data, prior_data)

if __name__ == "__main__":
    import jax
    _d = setup_inputs()
    print(jax.jit(kernel)(*tuple(_d.values())))

</pallas_src>

<mosaic_0001>
module attributes {stable_mosaic.version = 14 : i64} {
  func.func @_prep_kernel(%arg0: memref<4x20000xf32, #tpu.memory_space<vmem>>, %arg1: memref<4x20000xf32, #tpu.memory_space<vmem>>, %arg2: memref<21x20000xf32, #tpu.memory_space<vmem>>, %arg3: memref<4x20000xf32, #tpu.memory_space<vmem>>, %arg4: memref<20x20000xf32, #tpu.memory_space<vmem>>, %arg5: memref<1x20000xf32, #tpu.memory_space<vmem>>, %arg6: memref<1x1xf32, #tpu.memory_space<vmem>>) attributes {dimension_semantics = [], scalar_prefetch = 0 : i64, scratch_operands = 0 : i64, tpu.core_type = #tpu.core_type<tc>} {
    %get3A = arith.constant 0 : index
    %get3A_0 = arith.constant 0 : index
    %get3A_1 = vector.load %arg0[%get3A, %get3A_0] : memref<4x20000xf32, #tpu.memory_space<vmem>>, vector<1x20000xf32>
    %get3A_2 = arith.constant 1 : index
    %get3A_3 = arith.constant 0 : index
    %get3A_4 = vector.load %arg0[%get3A_2, %get3A_3] : memref<4x20000xf32, #tpu.memory_space<vmem>>, vector<1x20000xf32>
    %get3A_5 = arith.constant 2 : index
    %get3A_6 = arith.constant 0 : index
    %get3A_7 = vector.load %arg0[%get3A_5, %get3A_6] : memref<4x20000xf32, #tpu.memory_space<vmem>>, vector<1x20000xf32>
    %get3A_8 = arith.constant 3 : index
    %get3A_9 = arith.constant 0 : index
    %get3A_10 = vector.load %arg0[%get3A_8, %get3A_9] : memref<4x20000xf32, #tpu.memory_space<vmem>>, vector<1x20000xf32>
    %get3A_11 = arith.constant 0 : index
    %get3A_12 = arith.constant 0 : index
    %get3A_13 = vector.load %arg1[%get3A_11, %get3A_12] : memref<4x20000xf32, #tpu.memory_space<vmem>>, vector<1x20000xf32>
    %get3A_14 = arith.constant 1 : index
    %get3A_15 = arith.constant 0 : index
    %get3A_16 = vector.load %arg1[%get3A_14, %get3A_15] : memref<4x20000xf32, #tpu.memory_space<vmem>>, vector<1x20000xf32>
    %get3A_17 = arith.constant 2 : index
    %get3A_18 = arith.constant 0 : index
    %get3A_19 = vector.load %arg1[%get3A_17, %get3A_18] : memref<4x20000xf32, #tpu.memory_space<vmem>>, vector<1x20000xf32>
    %get3A_20 = arith.constant 3 : index
    %get3A_21 = arith.constant 0 : index
    %get3A_22 = vector.load %arg1[%get3A_20, %get3A_21] : memref<4x20000xf32, #tpu.memory_space<vmem>>, vector<1x20000xf32>
    %mul3A = arith.constant 1.000000e-01 : f32
    %mul3A_23 = vector.broadcast %mul3A : f32 to vector<1x20000xf32>
    %mul3A_24 = arith.mulf %get3A_1, %mul3A_23 : vector<1x20000xf32>
    %mul3A_25 = arith.mulf %mul3A_24, %get3A_19 : vector<1x20000xf32>
    %add3A = arith.addf %get3A_13, %mul3A_25 : vector<1x20000xf32>
    %mul3A_26 = arith.constant 1.000000e-01 : f32
    %mul3A_27 = vector.broadcast %mul3A_26 : f32 to vector<1x20000xf32>
    %mul3A_28 = arith.mulf %get3A_4, %mul3A_27 : vector<1x20000xf32>
    %mul3A_29 = arith.mulf %mul3A_28, %get3A_22 : vector<1x20000xf32>
    %add3A_30 = arith.addf %get3A_16, %mul3A_29 : vector<1x20000xf32>
    %mul3A_31 = arith.constant 2.000000e-01 : f32
    %mul3A_32 = vector.broadcast %mul3A_31 : f32 to vector<1x20000xf32>
    %mul3A_33 = arith.mulf %get3A_7, %mul3A_32 : vector<1x20000xf32>
    %exp3A = math.exp %mul3A_33 : vector<1x20000xf32>
    %mul3A_34 = arith.mulf %get3A_19, %exp3A : vector<1x20000xf32>
    %mul3A_35 = arith.constant 2.000000e-01 : f32
    %mul3A_36 = vector.broadcast %mul3A_35 : f32 to vector<1x20000xf32>
    %mul3A_37 = arith.mulf %get3A_10, %mul3A_36 : vector<1x20000xf32>
    %exp3A_38 = math.exp %mul3A_37 : vector<1x20000xf32>
    %mul3A_39 = arith.mulf %get3A_22, %exp3A_38 : vector<1x20000xf32>
    %div3A = arith.constant 2.000000e+00 : f32
    %div3A_40 = vector.broadcast %div3A : f32 to vector<1x20000xf32>
    %div3A_41 = arith.divf %mul3A_34, %div3A_40 : vector<1x20000xf32>
    %sub3A = arith.subf %add3A, %div3A_41 : vector<1x20000xf32>
    %div3A_42 = arith.constant 2.000000e+00 : f32
    %div3A_43 = vector.broadcast %div3A_42 : f32 to vector<1x20000xf32>
    %div3A_44 = arith.divf %mul3A_39, %div3A_43 : vector<1x20000xf32>
    %sub3A_45 = arith.subf %add3A_30, %div3A_44 : vector<1x20000xf32>
    %add3A_46 = arith.addf %sub3A, %mul3A_34 : vector<1x20000xf32>
    %add3A_47 = arith.addf %sub3A_45, %mul3A_39 : vector<1x20000xf32>
    %swap3A = arith.constant 0 : index
    %swap3A_48 = arith.constant 0 : index
    %swap3A_49 = vector.load %arg3[%swap3A, %swap3A_48] : memref<4x20000xf32, #tpu.memory_space<vmem>>, vector<1x20000xf32>
    tpu.vector_store %arg3[%swap3A, %swap3A_48], %sub3A {strides = array<i32>} : memref<4x20000xf32, #tpu.memory_space<vmem>>, vector<1x20000xf32>,
    %swap3A_50 = arith.constant 1 : index
    %swap3A_51 = arith.constant 0 : index
    %swap3A_52 = vector.load %arg3[%swap3A_50, %swap3A_51] : memref<4x20000xf32, #tpu.memory_space<vmem>>, vector<1x20000xf32>
    tpu.vector_store %arg3[%swap3A_50, %swap3A_51], %sub3A_45 {strides = array<i32>} : memref<4x20000xf32, #tpu.memory_space<vmem>>, vector<1x20000xf32>,
    %swap3A_53 = arith.constant 2 : index
    %swap3A_54 = arith.constant 0 : index
    %swap3A_55 = vector.load %arg3[%swap3A_53, %swap3A_54] : memref<4x20000xf32, #tpu.memory_space<vmem>>, vector<1x20000xf32>
    tpu.vector_store %arg3[%swap3A_53, %swap3A_54], %add3A_46 {strides = array<i32>} : memref<4x20000xf32, #tpu.memory_space<vmem>>, vector<1x20000xf32>,
    %swap3A_56 = arith.constant 3 : index
    %swap3A_57 = arith.constant 0 : index
    %swap3A_58 = vector.load %arg3[%swap3A_56, %swap3A_57] : memref<4x20000xf32, #tpu.memory_space<vmem>>, vector<1x20000xf32>
    tpu.vector_store %arg3[%swap3A_56, %swap3A_57], %add3A_47 {strides = array<i32>} : memref<4x20000xf32, #tpu.memory_space<vmem>>, vector<1x20000xf32>,
    %get3A_59 = arith.constant 1 : index
    %get3A_60 = arith.constant 0 : index
    %get3A_61 = vector.load %arg2[%get3A_59, %get3A_60] : memref<21x20000xf32, #tpu.memory_space<vmem>>, vector<20x20000xf32>
    %gt3A = arith.constant 0.00999999977 : f32
    %gt3A_62 = vector.broadcast %gt3A : f32 to vector<20x20000xf32>
    %gt3A_63 = arith.cmpf ogt, %get3A_61, %gt3A_62 : vector<20x20000xf32>
    %jit3A = arith.constant 0.000000e+00 : f32
    %broadcast_in_dim3A = vector.broadcast %jit3A : f32 to vector<20x20000xf32>
    %select_n3A = arith.select %gt3A_63, %get3A_61, %broadcast_in_dim3A : vector<20x20000xi1>, vector<20x20000xf32>
    %swap3A_64 = arith.constant 0 : index
    %swap3A_65 = arith.constant 0 : index
    %swap3A_66 = vector.load %arg4[%swap3A_64, %swap3A_65] : memref<20x20000xf32, #tpu.memory_space<vmem>>, vector<20x20000xf32>
    tpu.vector_store %arg4[%swap3A_64, %swap3A_65], %select_n3A {strides = array<i32>} : memref<20x20000xf32, #tpu.memory_space<vmem>>, vector<20x20000xf32>,
    %reduce_max3A = arith.constant dense<0xFF800000> : vector<20000xf32>
    %reduce_max3A_67 = vector.multi_reduction <maximumf>, %select_n3A, %reduce_max3A [0] : vector<20x20000xf32> to vector<20000xf32>
    %broadcast_in_dim3A_68 = vector.shape_cast %reduce_max3A_67 : vector<20000xf32> to vector<1x20000xf32>
    %swap3A_69 = arith.constant 0 : index
    %swap3A_70 = arith.constant 0 : index
    %swap3A_71 = vector.load %arg5[%swap3A_69, %swap3A_70] : memref<1x20000xf32, #tpu.memory_space<vmem>>, vector<1x20000xf32>
    tpu.vector_store %arg5[%swap3A_69, %swap3A_70], %broadcast_in_dim3A_68 {strides = array<i32>} : memref<1x20000xf32, #tpu.memory_space<vmem>>, vector<1x20000xf32>,
    %reduce_max3A_72 = arith.constant dense<0xFF800000> : vector<20000xf32>
    %reduce_max3A_73 = vector.multi_reduction <maximumf>, %get3A_61, %reduce_max3A_72 [0] : vector<20x20000xf32> to vector<20000xf32>
    %broadcast_in_dim3A_74 = vector.shape_cast %reduce_max3A_73 : vector<20000xf32> to vector<1x20000xf32>
    %max3A = arith.maximumf %sub3A, %sub3A_45 : vector<1x20000xf32>
    %max3A_75 = arith.maximumf %add3A_46, %add3A_47 : vector<1x20000xf32>
    %max3A_76 = arith.maximumf %max3A, %max3A_75 : vector<1x20000xf32>
    %gt3A_77 = arith.constant 0.00999999977 : f32
    %gt3A_78 = vector.broadcast %gt3A_77 : f32 to vector<1x20000xf32>
    %gt3A_79 = arith.cmpf ogt, %broadcast_in_dim3A_74, %gt3A_78 : vector<1x20000xf32>
    %jit3A_80 = arith.constant 0xFF800000 : f32
    %broadcast_in_dim3A_81 = vector.broadcast %jit3A_80 : f32 to vector<1x20000xf32>
    %select_n3A_82 = arith.select %gt3A_79, %max3A_76, %broadcast_in_dim3A_81 : vector<1x20000xi1>, vector<1x20000xf32>
    %reduce_max3A_83 = arith.constant dense<0xFF800000> : vector<1xf32>
    %reduce_max3A_84 = vector.multi_reduction <maximumf>, %select_n3A_82, %reduce_max3A_83 [1] : vector<1x20000xf32> to vector<1xf32>
    %broadcast_in_dim3A_85 = vector.shape_cast %reduce_max3A_84 : vector<1xf32> to vector<1x1xf32>
    %swap3A_86 = arith.constant 0 : index
    %swap3A_87 = arith.constant 0 : index
    %swap3A_88 = vector.load %arg6[%swap3A_86, %swap3A_87] : memref<1x1xf32, #tpu.memory_space<vmem>>, vector<1x1xf32>
    tpu.vector_store %arg6[%swap3A_86, %swap3A_87], %broadcast_in_dim3A_85 {strides = array<i32>} : memref<1x1xf32, #tpu.memory_space<vmem>>, vector<1x1xf32>,
    return
  }
}

module attributes {stable_mosaic.version = 14 : i64} {
  func.func @_nms_kernel(%arg0: memref<4x512xf32, #tpu.memory_space<vmem>>, %arg1: memref<512x4xf32, #tpu.memory_space<vmem>>, %arg2: memref<1x512xf32, #tpu.memory_space<vmem>>, %arg3: memref<128x128xf32, #tpu.memory_space<vmem>>, %arg4: memref<1x128xf32, #tpu.memory_space<vmem>>) attributes {dimension_semantics = [], scalar_prefetch = 0 : i64, scratch_operands = 2 : i64, tpu.core_type = #tpu.core_type<tc>} {
    %broadcast_in_dim3A = arith.constant 1.000000e+00 : f32
    %broadcast_in_dim3A_0 = vector.broadcast %broadcast_in_dim3A : f32 to vector<1x512xf32>
    %swap3A = arith.constant 0 : index
    %swap3A_1 = arith.constant 0 : index
    %swap3A_2 = vector.load %arg2[%swap3A, %swap3A_1] : memref<1x512xf32, #tpu.memory_space<vmem>>, vector<1x512xf32>
    tpu.vector_store %arg2[%swap3A, %swap3A_1], %broadcast_in_dim3A_0 {strides = array<i32>} : memref<1x512xf32, #tpu.memory_space<vmem>>, vector<1x512xf32>,
    %iota3A = tpu.iota {dimensions = array<i32: 1>} : vector<1x128xi32>
    %while3A = arith.constant 0 : i32
    %while3A_3 = arith.constant 0 : i32
    %while3A_4:2 = scf.while (%while3A_5 = %while3A, %while3A_6 = %while3A_3) : (i32, i32) -> (i32, i32) {
      %lt3A = arith.constant 4 : i32
      %lt3A_7 = arith.cmpi slt, %while3A_5, %lt3A : i32
      %lt3A_8 = arith.constant 200 : i32
      %lt3A_9 = arith.cmpi slt, %while3A_6, %lt3A_8 : i32
      %and3A = arith.andi %lt3A_7, %lt3A_9 : i1
      scf.condition(%and3A) %while3A_5, %while3A_6 : i32, i32
    } do {
    ^bb0(%while3A_5: i32, %while3A_6: i32):
      %mul3A = arith.constant 128 : i32
      %mul3A_7 = arith.muli %while3A_5, %mul3A : i32
      %multiple_of3A = tpu.assume_multiple %mul3A_7, 128 : i32
      %get3A = arith.index_cast %multiple_of3A : i32 to index
      %get3A_8 = arith.constant 0 : index
      %get3A_9 = vector.load %arg1[%get3A, %get3A_8] : memref<512x4xf32, #tpu.memory_space<vmem>>, vector<128x1xf32>
      %get3A_10 = arith.index_cast %multiple_of3A : i32 to index
      %get3A_11 = arith.constant 1 : index
      %get3A_12 = vector.load %arg1[%get3A_10, %get3A_11] : memref<512x4xf32, #tpu.memory_space<vmem>>, vector<128x1xf32>
      %get3A_13 = arith.index_cast %multiple_of3A : i32 to index
      %get3A_14 = arith.constant 2 : index
      %get3A_15 = vector.load %arg1[%get3A_13, %get3A_14] : memref<512x4xf32, #tpu.memory_space<vmem>>, vector<128x1xf32>
      %get3A_16 = arith.index_cast %multiple_of3A : i32 to index
      %get3A_17 = arith.constant 3 : index
      %get3A_18 = vector.load %arg1[%get3A_16, %get3A_17] : memref<512x4xf32, #tpu.memory_space<vmem>>, vector<128x1xf32>
      %sub3A = arith.subf %get3A_15, %get3A_9 : vector<128x1xf32>
      %sub3A_19 = arith.subf %get3A_18, %get3A_12 : vector<128x1xf32>
      %mul3A_20 = arith.mulf %sub3A, %sub3A_19 : vector<128x1xf32>
      %get3A_21 = arith.constant 0 : index
      %get3A_22 = arith.index_cast %multiple_of3A : i32 to index
      %get3A_23 = vector.load %arg0[%get3A_21, %get3A_22] : memref<4x512xf32, #tpu.memory_space<vmem>>, vector<1x128xf32>
      %get3A_24 = arith.constant 1 : index
      %get3A_25 = arith.index_cast %multiple_of3A : i32 to index
      %get3A_26 = vector.load %arg0[%get3A_24, %get3A_25] : memref<4x512xf32, #tpu.memory_space<vmem>>, vector<1x128xf32>
      %get3A_27 = arith.constant 2 : index
      %get3A_28 = arith.index_cast %multiple_of3A : i32 to index
      %get3A_29 = vector.load %arg0[%get3A_27, %get3A_28] : memref<4x512xf32, #tpu.memory_space<vmem>>, vector<1x128xf32>
      %get3A_30 = arith.constant 3 : index
      %get3A_31 = arith.index_cast %multiple_of3A : i32 to index
      %get3A_32 = vector.load %arg0[%get3A_30, %get3A_31] : memref<4x512xf32, #tpu.memory_space<vmem>>, vector<1x128xf32>
      %sub3A_33 = arith.subf %get3A_29, %get3A_23 : vector<1x128xf32>
      %sub3A_34 = arith.subf %get3A_32, %get3A_26 : vector<1x128xf32>
      %mul3A_35 = arith.mulf %sub3A_33, %sub3A_34 : vector<1x128xf32>
      %max3A = vector.broadcast %get3A_9 : vector<128x1xf32> to vector<128x128xf32>
      %max3A_36 = vector.broadcast %get3A_23 : vector<1x128xf32> to vector<128x128xf32>
      %max3A_37 = arith.maximumf %max3A, %max3A_36 : vector<128x128xf32>
      %max3A_38 = vector.broadcast %get3A_12 : vector<128x1xf32> to vector<128x128xf32>
      %max3A_39 = vector.broadcast %get3A_26 : vector<1x128xf32> to vector<128x128xf32>
      %max3A_40 = arith.maximumf %max3A_38, %max3A_39 : vector<128x128xf32>
      %min3A = vector.broadcast %get3A_15 : vector<128x1xf32> to vector<128x128xf32>
      %min3A_41 = vector.broadcast %get3A_29 : vector<1x128xf32> to vector<128x128xf32>
      %min3A_42 = arith.minimumf %min3A, %min3A_41 : vector<128x128xf32>
      %min3A_43 = vector.broadcast %get3A_18 : vector<128x1xf32> to vector<128x128xf32>
      %min3A_44 = vector.broadcast %get3A_32 : vector<1x128xf32> to vector<128x128xf32>
      %min3A_45 = arith.minimumf %min3A_43, %min3A_44 : vector<128x128xf32>
      %sub3A_46 = arith.subf %min3A_42, %max3A_37 : vector<128x128xf32>
      %max3A_47 = arith.constant 0.000000e+00 : f32
      %max3A_48 = vector.broadcast %max3A_47 : f32 to vector<128x128xf32>
      %max3A_49 = arith.maximumf %sub3A_46, %max3A_48 : vector<128x128xf32>
      %sub3A_50 = arith.subf %min3A_45, %max3A_40 : vector<128x128xf32>
      %max3A_51 = arith.constant 0.000000e+00 : f32
      %max3A_52 = vector.broadcast %max3A_51 : f32 to vector<128x128xf32>
      %max3A_53 = arith.maximumf %sub3A_50, %max3A_52 : vector<128x128xf32>
      %mul3A_54 = arith.mulf %max3A_49, %max3A_53 : vector<128x128xf32>
      %add3A = vector.broadcast %mul3A_20 : vector<128x1xf32> to vector<128x128xf32>
      %add3A_55 = vector.broadcast %mul3A_35 : vector<1x128xf32> to vector<128x128xf32>
      %add3A_56 = arith.addf %add3A, %add3A_55 : vector<128x128xf32>
      %sub3A_57 = arith.subf %add3A_56, %mul3A_54 : vector<128x128xf32>
      %add3A_58 = arith.constant 9.99999996E-13 : f32
      %add3A_59 = vector.broadcast %add3A_58 : f32 to vector<128x128xf32>
      %add3A_60 = arith.addf %sub3A_57, %add3A_59 : vector<128x128xf32>
      %div3A = arith.divf %mul3A_54, %add3A_60 : vector<128x128xf32>
      %gt3A = arith.constant 4.500000e-01 : f32
      %gt3A_61 = vector.broadcast %gt3A : f32 to vector<128x128xf32>
      %gt3A_62 = arith.cmpf ogt, %div3A, %gt3A_61 : vector<128x128xf32>
      %jit3A = arith.constant 1.000000e+00 : f32
      %jit3A_63 = arith.constant 0.000000e+00 : f32
      %broadcast_in_dim3A_64 = vector.broadcast %jit3A : f32 to vector<128x128xf32>
      %broadcast_in_dim3A_65 = vector.broadcast %jit3A_63 : f32 to vector<128x128xf32>
      %select_n3A = arith.select %gt3A_62, %broadcast_in_dim3A_64, %broadcast_in_dim3A_65 : vector<128x128xi1>, vector<128x128xf32>
      %swap3A_66 = arith.constant 0 : index
      %swap3A_67 = arith.constant 0 : index
      %swap3A_68 = vector.load %arg3[%swap3A_66, %swap3A_67] : memref<128x128xf32, #tpu.memory_space<vmem>>, vector<128x128xf32>
      tpu.vector_store %arg3[%swap3A_66, %swap3A_67], %select_n3A {strides = array<i32>} : memref<128x128xf32, #tpu.memory_space<vmem>>, vector<128x128xf32>,
      %get3A_69 = arith.constant 0 : index
      %get3A_70 = arith.index_cast %multiple_of3A : i32 to index
      %get3A_71 = vector.load %arg2[%get3A_69, %get3A_70] : memref<1x512xf32, #tpu.memory_space<vmem>>, vector<1x128xf32>
      %swap3A_72 = arith.constant 0 : index
      %swap3A_73 = arith.constant 0 : index
      %swap3A_74 = vector.load %arg4[%swap3A_72, %swap3A_73] : memref<1x128xf32, #tpu.memory_space<vmem>>, vector<1x128xf32>
      tpu.vector_store %arg4[%swap3A_72, %swap3A_73], %get3A_71 {strides = array<i32>} : memref<1x128xf32, #tpu.memory_space<vmem>>, vector<1x128xf32>,
      %scan3A = arith.constant 0 : i32
      %scan3A_75 = arith.constant 0 : i32
      %scan3A_76 = arith.constant 128 : i32
      %scan3A_77 = arith.addi %scan3A_75, %scan3A_76 : i32
      %scan3A_78 = arith.constant 1 : i32
      %scan3A_79 = scf.for %scan3A_108 = %scan3A_75 to %scan3A_77 step %scan3A_78 iter_args(%scan3A_109 = %scan3A) -> (i32)  : i32 {
        %get3A_110 = arith.index_cast %scan3A_108 : i32 to index
        %get3A_111 = arith.constant 0 : index
        %get3A_112 = vector.load %arg3[%get3A_110, %get3A_111] : memref<128x128xf32, #tpu.memory_space<vmem>>, vector<1x128xf32>
        %get3A_113 = arith.constant 0 : index
        %get3A_114 = arith.constant 0 : index
        %get3A_115 = vector.load %arg4[%get3A_113, %get3A_114] : memref<1x128xf32, #tpu.memory_space<vmem>>, vector<1x128xf32>
        %eq3A = vector.broadcast %scan3A_108 : i32 to vector<1x128xi32>
        %eq3A_116 = arith.cmpi eq, %iota3A, %eq3A : vector<1x128xi32>
        %jit3A_117 = arith.constant 0.000000e+00 : f32
        %broadcast_in_dim3A_118 = vector.broadcast %jit3A_117 : f32 to vector<1x128xf32>
        %select_n3A_119 = arith.select %eq3A_116, %get3A_115, %broadcast_in_dim3A_118 : vector<1x128xi1>, vector<1x128xf32>
        %reduce_max3A = arith.constant dense<0xFF800000> : vector<1xf32>
        %reduce_max3A_120 = vector.multi_reduction <maximumf>, %select_n3A_119, %reduce_max3A [1] : vector<1x128xf32> to vector<1xf32>
        %broadcast_in_dim3A_121 = vector.shape_cast %reduce_max3A_120 : vector<1xf32> to vector<1x1xf32>
        %gt3A_122 = arith.constant 5.000000e-01 : f32
        %gt3A_123 = vector.broadcast %gt3A_122 : f32 to vector<1x128xf32>
        %gt3A_124 = arith.cmpf ogt, %get3A_112, %gt3A_123 : vector<1x128xf32>
        %gt3A_125 = arith.constant 5.000000e-01 : f32
        %gt3A_126 = vector.broadcast %gt3A_125 : f32 to vector<1x1xf32>
        %gt3A_127 = arith.cmpf ogt, %broadcast_in_dim3A_121, %gt3A_126 : vector<1x1xf32>
        %and3A = vector.broadcast %gt3A_127 : vector<1x1xi1> to vector<1x128xi1>
        %and3A_128 = arith.andi %gt3A_124, %and3A : vector<1x128xi1>
        %gt3A_129 = vector.broadcast %scan3A_108 : i32 to vector<1x128xi32>
        %gt3A_130 = arith.cmpi sgt, %iota3A, %gt3A_129 : vector<1x128xi32>
        %and3A_131 = arith.andi %and3A_128, %gt3A_130 : vector<1x128xi1>
        %jit3A_132 = arith.constant 0.000000e+00 : f32
        %broadcast_in_dim3A_133 = vector.broadcast %jit3A_132 : f32 to vector<1x128xf32>
        %select_n3A_134 = arith.select %and3A_131, %broadcast_in_dim3A_133, %get3A_115 : vector<1x128xi1>, vector<1x128xf32>
        %swap3A_135 = arith.constant 0 : index
        %swap3A_136 = arith.constant 0 : index
        %swap3A_137 = vector.load %arg4[%swap3A_135, %swap3A_136] : memref<1x128xf32, #tpu.memory_space<vmem>>, vector<1x128xf32>
        tpu.vector_store %arg4[%swap3A_135, %swap3A_136], %select_n3A_134 {strides = array<i32>} : memref<1x128xf32, #tpu.memory_space<vmem>>, vector<1x128xf32>,
        %scan3A_138 = arith.constant 0 : i32
        scf.yield %scan3A_138 : i32
      }
      %scan3A_80 = arith.constant 128 : i32
      %get3A_81 = arith.constant 0 : index
      %get3A_82 = arith.constant 0 : index
      %get3A_83 = vector.load %arg4[%get3A_81, %get3A_82] : memref<1x128xf32, #tpu.memory_space<vmem>>, vector<1x128xf32>
      %swap3A_84 = arith.constant 0 : index
      %swap3A_85 = arith.index_cast %multiple_of3A : i32 to index
      %swap3A_86 = vector.load %arg2[%swap3A_84, %swap3A_85] : memref<1x512xf32, #tpu.memory_space<vmem>>, vector<1x128xf32>
      tpu.vector_store %arg2[%swap3A_84, %swap3A_85], %get3A_83 {strides = array<i32>} : memref<1x512xf32, #tpu.memory_space<vmem>>, vector<1x128xf32>,
      %sub3A_87 = arith.constant 3 : i32
      %sub3A_88 = arith.subi %sub3A_87, %while3A_5 : i32
      %while3A_89 = arith.constant 0 : i32
      %while3A_90 = arith.constant 0 : i32
      %while3A_91 = arith.subi %sub3A_88, %while3A_89 : i32
      %while3A_92 = arith.addi %while3A_89, %while3A_91 : i32
      %while3A_93 = arith.constant 1 : i32
      %while3A_94 = arith.divsi %while3A_91, %while3A_93 : i32
      %while3A_95 = arith.muli %while3A_94, %while3A_93 : i32
      %while3A_96 = arith.addi %while3A_89, %while3A_95 : i32
      %while3A_97 = arith.constant 1 : i32
      %while3A_98 = scf.for %while3A_108 = %while3A_89 to %while3A_96 step %while3A_97 iter_args(%while3A_109 = %while3A_90) -> (i32)  : i32 {
        %add3A_110 = arith.constant 128 : i32
        %add3A_111 = arith.addi %multiple_of3A, %add3A_110 : i32
        %mul3A_112 = arith.constant 128 : i32
        %mul3A_113 = arith.muli %while3A_108, %mul3A_112 : i32
        %add3A_114 = arith.addi %add3A_111, %mul3A_113 : i32
        %multiple_of3A_115 = tpu.assume_multiple %add3A_114, 128 : i32
        %get3A_116 = arith.constant 0 : index
        %get3A_117 = arith.index_cast %multiple_of3A_115 : i32 to index
        %get3A_118 = vector.load %arg0[%get3A_116, %get3A_117] : memref<4x512xf32, #tpu.memory_space<vmem>>, vector<1x128xf32>
        %get3A_119 = arith.constant 1 : index
        %get3A_120 = arith.index_cast %multiple_of3A_115 : i32 to index
        %get3A_121 = vector.load %arg0[%get3A_119, %get3A_120] : memref<4x512xf32, #tpu.memory_space<vmem>>, vector<1x128xf32>
        %get3A_122 = arith.constant 2 : index
        %get3A_123 = arith.index_cast %multiple_of3A_115 : i32 to index
        %get3A_124 = vector.load %arg0[%get3A_122, %get3A_123] : memref<4x512xf32, #tpu.memory_space<vmem>>, vector<1x128xf32>
        %get3A_125 = arith.constant 3 : index
        %get3A_126 = arith.index_cast %multiple_of3A_115 : i32 to index
        %get3A_127 = vector.load %arg0[%get3A_125, %get3A_126] : memref<4x512xf32, #tpu.memory_space<vmem>>, vector<1x128xf32>
        %sub3A_128 = arith.subf %get3A_124, %get3A_118 : vector<1x128xf32>
        %sub3A_129 = arith.subf %get3A_127, %get3A_121 : vector<1x128xf32>
        %mul3A_130 = arith.mulf %sub3A_128, %sub3A_129 : vector<1x128xf32>
        %max3A_131 = vector.broadcast %get3A_9 : vector<128x1xf32> to vector<128x128xf32>
        %max3A_132 = vector.broadcast %get3A_118 : vector<1x128xf32> to vector<128x128xf32>
        %max3A_133 = arith.maximumf %max3A_131, %max3A_132 : vector<128x128xf32>
        %max3A_134 = vector.broadcast %get3A_12 : vector<128x1xf32> to vector<128x128xf32>
        %max3A_135 = vector.broadcast %get3A_121 : vector<1x128xf32> to vector<128x128xf32>
        %max3A_136 = arith.maximumf %max3A_134, %max3A_135 : vector<128x128xf32>
        %min3A_137 = vector.broadcast %get3A_15 : vector<128x1xf32> to vector<128x128xf32>
        %min3A_138 = vector.broadcast %get3A_124 : vector<1x128xf32> to vector<128x128xf32>
        %min3A_139 = arith.minimumf %min3A_137, %min3A_138 : vector<128x128xf32>
        %min3A_140 = vector.broadcast %get3A_18 : vector<128x1xf32> to vector<128x128xf32>
        %min3A_141 = vector.broadcast %get3A_127 : vector<1x128xf32> to vector<128x128xf32>
        %min3A_142 = arith.minimumf %min3A_140, %min3A_141 : vector<128x128xf32>
        %sub3A_143 = arith.subf %min3A_139, %max3A_133 : vector<128x128xf32>
        %max3A_144 = arith.constant 0.000000e+00 : f32
        %max3A_145 = vector.broadcast %max3A_144 : f32 to vector<128x128xf32>
        %max3A_146 = arith.maximumf %sub3A_143, %max3A_145 : vector<128x128xf32>
        %sub3A_147 = arith.subf %min3A_142, %max3A_136 : vector<128x128xf32>
        %max3A_148 = arith.constant 0.000000e+00 : f32
        %max3A_149 = vector.broadcast %max3A_148 : f32 to vector<128x128xf32>
        %max3A_150 = arith.maximumf %sub3A_147, %max3A_149 : vector<128x128xf32>
        %mul3A_151 = arith.mulf %max3A_146, %max3A_150 : vector<128x128xf32>
        %add3A_152 = vector.broadcast %mul3A_20 : vector<128x1xf32> to vector<128x128xf32>
        %add3A_153 = vector.broadcast %mul3A_130 : vector<1x128xf32> to vector<128x128xf32>
        %add3A_154 = arith.addf %add3A_152, %add3A_153 : vector<128x128xf32>
        %sub3A_155 = arith.subf %add3A_154, %mul3A_151 : vector<128x128xf32>
        %add3A_156 = arith.constant 9.99999996E-13 : f32
        %add3A_157 = vector.broadcast %add3A_156 : f32 to vector<128x128xf32>
        %add3A_158 = arith.addf %sub3A_155, %add3A_157 : vector<128x128xf32>
        %div3A_159 = arith.divf %mul3A_151, %add3A_158 : vector<128x128xf32>
        %gt3A_160 = arith.constant 4.500000e-01 : f32
        %gt3A_161 = vector.broadcast %gt3A_160 : f32 to vector<128x128xf32>
        %gt3A_162 = arith.cmpf ogt, %div3A_159, %gt3A_161 : vector<128x128xf32>
        %jit3A_163 = arith.constant 1.000000e+00 : f32
        %jit3A_164 = arith.constant 0.000000e+00 : f32
        %broadcast_in_dim3A_165 = vector.broadcast %jit3A_163 : f32 to vector<128x128xf32>
        %broadcast_in_dim3A_166 = vector.broadcast %jit3A_164 : f32 to vector<128x128xf32>
        %select_n3A_167 = arith.select %gt3A_162, %broadcast_in_dim3A_165, %broadcast_in_dim3A_166 : vector<128x128xi1>, vector<128x128xf32>
        %dot_general3A = arith.constant dense<0.000000e+00> : vector<1x128xf32>
        %dot_general3A_168 = tpu.matmul %get3A_83, %select_n3A_167, %dot_general3A {dimension_numbers = #tpu.dot_dimension_numbers<[1], [0], [0], [1], [0, 0, 1, 1], [], []>, transpose_lhs_hint = false} : vector<1x128xf32>, vector<128x128xf32>, vector<1x128xf32> -> vector<1x128xf32>
        %get3A_169 = arith.constant 0 : index
        %get3A_170 = arith.index_cast %multiple_of3A_115 : i32 to index
        %get3A_171 = vector.load %arg2[%get3A_169, %get3A_170] : memref<1x512xf32, #tpu.memory_space<vmem>>, vector<1x128xf32>
        %gt3A_172 = arith.constant 0.000000e+00 : f32
        %gt3A_173 = vector.broadcast %gt3A_172 : f32 to vector<1x128xf32>
        %gt3A_174 = arith.cmpf ogt, %dot_general3A_168, %gt3A_173 : vector<1x128xf32>
        %jit3A_175 = arith.constant 0.000000e+00 : f32
        %broadcast_in_dim3A_176 = vector.broadcast %jit3A_175 : f32 to vector<1x128xf32>
        %select_n3A_177 = arith.select %gt3A_174, %broadcast_in_dim3A_176, %get3A_171 : vector<1x128xi1>, vector<1x128xf32>
        %swap3A_178 = arith.constant 0 : index
        %swap3A_179 = arith.index_cast %multiple_of3A_115 : i32 to index
        %swap3A_180 = vector.load %arg2[%swap3A_178, %swap3A_179] : memref<1x512xf32, #tpu.memory_space<vmem>>, vector<1x128xf32>
        tpu.vector_store %arg2[%swap3A_178, %swap3A_179], %select_n3A_177 {strides = array<i32>} : memref<1x512xf32, #tpu.memory_space<vmem>>, vector<1x128xf32>,
        %while3A_181 = arith.constant 0 : i32
        scf.yield %while3A_181 : i32
      }
      %while3A_99 = arith.constant 1 : i32
      %while3A_100 = scf.for %while3A_108 = %while3A_96 to %while3A_92 step %while3A_99 iter_args(%while3A_109 = %while3A_98) -> (i32)  : i32 {
        %add3A_110 = arith.constant 128 : i32
        %add3A_111 = arith.addi %multiple_of3A, %add3A_110 : i32
        %mul3A_112 = arith.constant 128 : i32
        %mul3A_113 = arith.muli %while3A_108, %mul3A_112 : i32
        %add3A_114 = arith.addi %add3A_111, %mul3A_113 : i32
        %multiple_of3A_115 = tpu.assume_multiple %add3A_114, 128 : i32
        %get3A_116 = arith.constant 0 : index
        %get3A_117 = arith.index_cast %multiple_of3A_115 : i32 to index
        %get3A_118 = vector.load %arg0[%get3A_116, %get3A_117] : memref<4x512xf32, #tpu.memory_space<vmem>>, vector<1x128xf32>
        %get3A_119 = arith.constant 1 : index
        %get3A_120 = arith.index_cast %multiple_of3A_115 : i32 to index
        %get3A_121 = vector.load %arg0[%get3A_119, %get3A_120] : memref<4x512xf32, #tpu.memory_space<vmem>>, vector<1x128xf32>
        %get3A_122 = arith.constant 2 : index
        %get3A_123 = arith.index_cast %multiple_of3A_115 : i32 to index
        %get3A_124 = vector.load %arg0[%get3A_122, %get3A_123] : memref<4x512xf32, #tpu.memory_space<vmem>>, vector<1x128xf32>
        %get3A_125 = arith.constant 3 : index
        %get3A_126 = arith.index_cast %multiple_of3A_115 : i32 to index
        %get3A_127 = vector.load %arg0[%get3A_125, %get3A_126] : memref<4x512xf32, #tpu.memory_space<vmem>>, vector<1x128xf32>
        %sub3A_128 = arith.subf %get3A_124, %get3A_118 : vector<1x128xf32>
        %sub3A_129 = arith.subf %get3A_127, %get3A_121 : vector<1x128xf32>
        %mul3A_130 = arith.mulf %sub3A_128, %sub3A_129 : vector<1x128xf32>
        %max3A_131 = vector.broadcast %get3A_9 : vector<128x1xf32> to vector<128x128xf32>
        %max3A_132 = vector.broadcast %get3A_118 : vector<1x128xf32> to vector<128x128xf32>
        %max3A_133 = arith.maximumf %max3A_131, %max3A_132 : vector<128x128xf32>
        %max3A_134 = vector.broadcast %get3A_12 : vector<128x1xf32> to vector<128x128xf32>
        %max3A_135 = vector.broadcast %get3A_121 : vector<1x128xf32> to vector<128x128xf32>
        %max3A_136 = arith.maximumf %max3A_134, %max3A_135 : vector<128x128xf32>
        %min3A_137 = vector.broadcast %get3A_15 : vector<128x1xf32> to vector<128x128xf32>
        %min3A_138 = vector.broadcast %get3A_124 : vector<1x128xf32> to vector<128x128xf32>
        %min3A_139 = arith.minimumf %min3A_137, %min3A_138 : vector<128x128xf32>
        %min3A_140 = vector.broadcast %get3A_18 : vector<128x1xf32> to vector<128x128xf32>
        %min3A_141 = vector.broadcast %get3A_127 : vector<1x128xf32> to vector<128x128xf32>
        %min3A_142 = arith.minimumf %min3A_140, %min3A_141 : vector<128x128xf32>
        %sub3A_143 = arith.subf %min3A_139, %max3A_133 : vector<128x128xf32>
        %max3A_144 = arith.constant 0.000000e+00 : f32
        %max3A_145 = vector.broadcast %max3A_144 : f32 to vector<128x128xf32>
        %max3A_146 = arith.maximumf %sub3A_143, %max3A_145 : vector<128x128xf32>
        %sub3A_147 = arith.subf %min3A_142, %max3A_136 : vector<128x128xf32>
        %max3A_148 = arith.constant 0.000000e+00 : f32
        %max3A_149 = vector.broadcast %max3A_148 : f32 to vector<128x128xf32>
        %max3A_150 = arith.maximumf %sub3A_147, %max3A_149 : vector<128x128xf32>
        %mul3A_151 = arith.mulf %max3A_146, %max3A_150 : vector<128x128xf32>
        %add3A_152 = vector.broadcast %mul3A_20 : vector<128x1xf32> to vector<128x128xf32>
        %add3A_153 = vector.broadcast %mul3A_130 : vector<1x128xf32> to vector<128x128xf32>
        %add3A_154 = arith.addf %add3A_152, %add3A_153 : vector<128x128xf32>
        %sub3A_155 = arith.subf %add3A_154, %mul3A_151 : vector<128x128xf32>
        %add3A_156 = arith.constant 9.99999996E-13 : f32
        %add3A_157 = vector.broadcast %add3A_156 : f32 to vector<128x128xf32>
        %add3A_158 = arith.addf %sub3A_155, %add3A_157 : vector<128x128xf32>
        %div3A_159 = arith.divf %mul3A_151, %add3A_158 : vector<128x128xf32>
        %gt3A_160 = arith.constant 4.500000e-01 : f32
        %gt3A_161 = vector.broadcast %gt3A_160 : f32 to vector<128x128xf32>
        %gt3A_162 = arith.cmpf ogt, %div3A_159, %gt3A_161 : vector<128x128xf32>
        %jit3A_163 = arith.constant 1.000000e+00 : f32
        %jit3A_164 = arith.constant 0.000000e+00 : f32
        %broadcast_in_dim3A_165 = vector.broadcast %jit3A_163 : f32 to vector<128x128xf32>
        %broadcast_in_dim3A_166 = vector.broadcast %jit3A_164 : f32 to vector<128x128xf32>
        %select_n3A_167 = arith.select %gt3A_162, %broadcast_in_dim3A_165, %broadcast_in_dim3A_166 : vector<128x128xi1>, vector<128x128xf32>
        %dot_general3A = arith.constant dense<0.000000e+00> : vector<1x128xf32>
        %dot_general3A_168 = tpu.matmul %get3A_83, %select_n3A_167, %dot_general3A {dimension_numbers = #tpu.dot_dimension_numbers<[1], [0], [0], [1], [0, 0, 1, 1], [], []>, transpose_lhs_hint = false} : vector<1x128xf32>, vector<128x128xf32>, vector<1x128xf32> -> vector<1x128xf32>
        %get3A_169 = arith.constant 0 : index
        %get3A_170 = arith.index_cast %multiple_of3A_115 : i32 to index
        %get3A_171 = vector.load %arg2[%get3A_169, %get3A_170] : memref<1x512xf32, #tpu.memory_space<vmem>>, vector<1x128xf32>
        %gt3A_172 = arith.constant 0.000000e+00 : f32
        %gt3A_173 = vector.broadcast %gt3A_172 : f32 to vector<1x128xf32>
        %gt3A_174 = arith.cmpf ogt, %dot_general3A_168, %gt3A_173 : vector<1x128xf32>
        %jit3A_175 = arith.constant 0.000000e+00 : f32
        %broadcast_in_dim3A_176 = vector.broadcast %jit3A_175 : f32 to vector<1x128xf32>
        %select_n3A_177 = arith.select %gt3A_174, %broadcast_in_dim3A_176, %get3A_171 : vector<1x128xi1>, vector<1x128xf32>
        %swap3A_178 = arith.constant 0 : index
        %swap3A_179 = arith.index_cast %multiple_of3A_115 : i32 to index
        %swap3A_180 = vector.load %arg2[%swap3A_178, %swap3A_179] : memref<1x512xf32, #tpu.memory_space<vmem>>, vector<1x128xf32>
        tpu.vector_store %arg2[%swap3A_178, %swap3A_179], %select_n3A_177 {strides = array<i32>} : memref<1x512xf32, #tpu.memory_space<vmem>>, vector<1x128xf32>,
        %while3A_181 = arith.constant 0 : i32
        scf.yield %while3A_181 : i32
      }
      %reduce_sum3A = vector.shape_cast %get3A_83 : vector<1x128xf32> to vector<1x1x128xf32>
      %reduce_sum3A_101 = arith.constant dense<0.000000e+00> : vector<1xf32>
      %reduce_sum3A_102 = vector.multi_reduction <add>, %reduce_sum3A, %reduce_sum3A_101 [1, 2] : vector<1x1x128xf32> to vector<1xf32>
      %reduce_sum3A_103 = vector.shape_cast %reduce_sum3A_102 : vector<1xf32> to vector<1x1x1xf32>
      %reduce_sum3A_104 = vector.extract %reduce_sum3A_103[0, 0, 0] : f32 from vector<1x1x1xf32>
      %convert_element_type3A = arith.fptosi %reduce_sum3A_104 : f32 to i32
      %add3A_105 = arith.addi %while3A_6, %convert_element_type3A : i32
      %add3A_106 = arith.constant 1 : i32
      %add3A_107 = arith.addi %while3A_5, %add3A_106 : i32
      scf.yield %add3A_107, %add3A_105 : i32, i32
    }
    return
  }
}

module attributes {stable_mosaic.version = 14 : i64} {
  func.func @_nms_kernel(%arg0: memref<4x4096xf32, #tpu.memory_space<vmem>>, %arg1: memref<4096x4xf32, #tpu.memory_space<vmem>>, %arg2: memref<1x4096xf32, #tpu.memory_space<vmem>>, %arg3: memref<128x128xf32, #tpu.memory_space<vmem>>, %arg4: memref<1x128xf32, #tpu.memory_space<vmem>>) attributes {dimension_semantics = [], scalar_prefetch = 0 : i64, scratch_operands = 2 : i64, tpu.core_type = #tpu.core_type<tc>} {
    %broadcast_in_dim3A = arith.constant 1.000000e+00 : f32
    %broadcast_in_dim3A_0 = vector.broadcast %broadcast_in_dim3A : f32 to vector<1x4096xf32>
    %swap3A = arith.constant 0 : index
    %swap3A_1 = arith.constant 0 : index
    %swap3A_2 = vector.load %arg2[%swap3A, %swap3A_1] : memref<1x4096xf32, #tpu.memory_space<vmem>>, vector<1x4096xf32>
    tpu.vector_store %arg2[%swap3A, %swap3A_1], %broadcast_in_dim3A_0 {strides = array<i32>} : memref<1x4096xf32, #tpu.memory_space<vmem>>, vector<1x4096xf32>,
    %iota3A = tpu.iota {dimensions = array<i32: 1>} : vector<1x128xi32>
    %while3A = arith.constant 0 : i32
    %while3A_3 = arith.constant 0 : i32
    %while3A_4:2 = scf.while (%while3A_5 = %while3A, %while3A_6 = %while3A_3) : (i32, i32) -> (i32, i32) {
      %lt3A = arith.constant 32 : i32
      %lt3A_7 = arith.cmpi slt, %while3A_5, %lt3A : i32
      %lt3A_8 = arith.constant 200 : i32
      %lt3A_9 = arith.cmpi slt, %while3A_6, %lt3A_8 : i32
      %and3A = arith.andi %lt3A_7, %lt3A_9 : i1
      scf.condition(%and3A) %while3A_5, %while3A_6 : i32, i32
    } do {
    ^bb0(%while3A_5: i32, %while3A_6: i32):
      %mul3A = arith.constant 128 : i32
      %mul3A_7 = arith.muli %while3A_5, %mul3A : i32
      %multiple_of3A = tpu.assume_multiple %mul3A_7, 128 : i32
      %get3A = arith.index_cast %multiple_of3A : i32 to index
      %get3A_8 = arith.constant 0 : index
      %get3A_9 = vector.load %arg1[%get3A, %get3A_8] : memref<4096x4xf32, #tpu.memory_space<vmem>>, vector<128x1xf32>
      %get3A_10 = arith.index_cast %multiple_of3A : i32 to index
      %get3A_11 = arith.constant 1 : index
      %get3A_12 = vector.load %arg1[%get3A_10, %get3A_11] : memref<4096x4xf32, #tpu.memory_space<vmem>>, vector<128x1xf32>
      %get3A_13 = arith.index_cast %multiple_of3A : i32 to index
      %get3A_14 = arith.constant 2 : index
      %get3A_15 = vector.load %arg1[%get3A_13, %get3A_14] : memref<4096x4xf32, #tpu.memory_space<vmem>>, vector<128x1xf32>
      %get3A_16 = arith.index_cast %multiple_of3A : i32 to index
      %get3A_17 = arith.constant 3 : index
      %get3A_18 = vector.load %arg1[%get3A_16, %get3A_17] : memref<4096x4xf32, #tpu.memory_space<vmem>>, vector<128x1xf32>
      %sub3A = arith.subf %get3A_15, %get3A_9 : vector<128x1xf32>
      %sub3A_19 = arith.subf %get3A_18, %get3A_12 : vector<128x1xf32>
      %mul3A_20 = arith.mulf %sub3A, %sub3A_19 : vector<128x1xf32>
      %get3A_21 = arith.constant 0 : index
      %get3A_22 = arith.index_cast %multiple_of3A : i32 to index
      %get3A_23 = vector.load %arg0[%get3A_21, %get3A_22] : memref<4x4096xf32, #tpu.memory_space<vmem>>, vector<1x128xf32>
      %get3A_24 = arith.constant 1 : index
      %get3A_25 = arith.index_cast %multiple_of3A : i32 to index
      %get3A_26 = vector.load %arg0[%get3A_24, %get3A_25] : memref<4x4096xf32, #tpu.memory_space<vmem>>, vector<1x128xf32>
      %get3A_27 = arith.constant 2 : index
      %get3A_28 = arith.index_cast %multiple_of3A : i32 to index
      %get3A_29 = vector.load %arg0[%get3A_27, %get3A_28] : memref<4x4096xf32, #tpu.memory_space<vmem>>, vector<1x128xf32>
      %get3A_30 = arith.constant 3 : index
      %get3A_31 = arith.index_cast %multiple_of3A : i32 to index
      %get3A_32 = vector.load %arg0[%get3A_30, %get3A_31] : memref<4x4096xf32, #tpu.memory_space<vmem>>, vector<1x128xf32>
      %sub3A_33 = arith.subf %get3A_29, %get3A_23 : vector<1x128xf32>
      %sub3A_34 = arith.subf %get3A_32, %get3A_26 : vector<1x128xf32>
      %mul3A_35 = arith.mulf %sub3A_33, %sub3A_34 : vector<1x128xf32>
      %max3A = vector.broadcast %get3A_9 : vector<128x1xf32> to vector<128x128xf32>
      %max3A_36 = vector.broadcast %get3A_23 : vector<1x128xf32> to vector<128x128xf32>
      %max3A_37 = arith.maximumf %max3A, %max3A_36 : vector<128x128xf32>
      %max3A_38 = vector.broadcast %get3A_12 : vector<128x1xf32> to vector<128x128xf32>
      %max3A_39 = vector.broadcast %get3A_26 : vector<1x128xf32> to vector<128x128xf32>
      %max3A_40 = arith.maximumf %max3A_38, %max3A_39 : vector<128x128xf32>
      %min3A = vector.broadcast %get3A_15 : vector<128x1xf32> to vector<128x128xf32>
      %min3A_41 = vector.broadcast %get3A_29 : vector<1x128xf32> to vector<128x128xf32>
      %min3A_42 = arith.minimumf %min3A, %min3A_41 : vector<128x128xf32>
      %min3A_43 = vector.broadcast %get3A_18 : vector<128x1xf32> to vector<128x128xf32>
      %min3A_44 = vector.broadcast %get3A_32 : vector<1x128xf32> to vector<128x128xf32>
      %min3A_45 = arith.minimumf %min3A_43, %min3A_44 : vector<128x128xf32>
      %sub3A_46 = arith.subf %min3A_42, %max3A_37 : vector<128x128xf32>
      %max3A_47 = arith.constant 0.000000e+00 : f32
      %max3A_48 = vector.broadcast %max3A_47 : f32 to vector<128x128xf32>
      %max3A_49 = arith.maximumf %sub3A_46, %max3A_48 : vector<128x128xf32>
      %sub3A_50 = arith.subf %min3A_45, %max3A_40 : vector<128x128xf32>
      %max3A_51 = arith.constant 0.000000e+00 : f32
      %max3A_52 = vector.broadcast %max3A_51 : f32 to vector<128x128xf32>
      %max3A_53 = arith.maximumf %sub3A_50, %max3A_52 : vector<128x128xf32>
      %mul3A_54 = arith.mulf %max3A_49, %max3A_53 : vector<128x128xf32>
      %add3A = vector.broadcast %mul3A_20 : vector<128x1xf32> to vector<128x128xf32>
      %add3A_55 = vector.broadcast %mul3A_35 : vector<1x128xf32> to vector<128x128xf32>
      %add3A_56 = arith.addf %add3A, %add3A_55 : vector<128x128xf32>
      %sub3A_57 = arith.subf %add3A_56, %mul3A_54 : vector<128x128xf32>
      %add3A_58 = arith.constant 9.99999996E-13 : f32
      %add3A_59 = vector.broadcast %add3A_58 : f32 to vector<128x128xf32>
      %add3A_60 = arith.addf %sub3A_57, %add3A_59 : vector<128x128xf32>
      %div3A = arith.divf %mul3A_54, %add3A_60 : vector<128x128xf32>
      %gt3A = arith.constant 4.500000e-01 : f32
      %gt3A_61 = vector.broadcast %gt3A : f32 to vector<128x128xf32>
      %gt3A_62 = arith.cmpf ogt, %div3A, %gt3A_61 : vector<128x128xf32>
      %jit3A = arith.constant 1.000000e+00 : f32
      %jit3A_63 = arith.constant 0.000000e+00 : f32
      %broadcast_in_dim3A_64 = vector.broadcast %jit3A : f32 to vector<128x128xf32>
      %broadcast_in_dim3A_65 = vector.broadcast %jit3A_63 : f32 to vector<128x128xf32>
      %select_n3A = arith.select %gt3A_62, %broadcast_in_dim3A_64, %broadcast_in_dim3A_65 : vector<128x128xi1>, vector<128x128xf32>
      %swap3A_66 = arith.constant 0 : index
      %swap3A_67 = arith.constant 0 : index
      %swap3A_68 = vector.load %arg3[%swap3A_66, %swap3A_67] : memref<128x128xf32, #tpu.memory_space<vmem>>, vector<128x128xf32>
      tpu.vector_store %arg3[%swap3A_66, %swap3A_67], %select_n3A {strides = array<i32>} : memref<128x128xf32, #tpu.memory_space<vmem>>, vector<128x128xf32>,
      %get3A_69 = arith.constant 0 : index
      %get3A_70 = arith.index_cast %multiple_of3A : i32 to index
      %get3A_71 = vector.load %arg2[%get3A_69, %get3A_70] : memref<1x4096xf32, #tpu.memory_space<vmem>>, vector<1x128xf32>
      %swap3A_72 = arith.constant 0 : index
      %swap3A_73 = arith.constant 0 : index
      %swap3A_74 = vector.load %arg4[%swap3A_72, %swap3A_73] : memref<1x128xf32, #tpu.memory_space<vmem>>, vector<1x128xf32>
      tpu.vector_store %arg4[%swap3A_72, %swap3A_73], %get3A_71 {strides = array<i32>} : memref<1x128xf32, #tpu.memory_space<vmem>>, vector<1x128xf32>,
      %scan3A = arith.constant 0 : i32
      %scan3A_75 = arith.constant 0 : i32
      %scan3A_76 = arith.constant 128 : i32
      %scan3A_77 = arith.addi %scan3A_75, %scan3A_76 : i32
      %scan3A_78 = arith.constant 1 : i32
      %scan3A_79 = scf.for %scan3A_108 = %scan3A_75 to %scan3A_77 step %scan3A_78 iter_args(%scan3A_109 = %scan3A) -> (i32)  : i32 {
        %get3A_110 = arith.index_cast %scan3A_108 : i32 to index
        %get3A_111 = arith.constant 0 : index
        %get3A_112 = vector.load %arg3[%get3A_110, %get3A_111] : memref<128x128xf32, #tpu.memory_space<vmem>>, vector<1x128xf32>
        %get3A_113 = arith.constant 0 : index
        %get3A_114 = arith.constant 0 : index
        %get3A_115 = vector.load %arg4[%get3A_113, %get3A_114] : memref<1x128xf32, #tpu.memory_space<vmem>>, vector<1x128xf32>
        %eq3A = vector.broadcast %scan3A_108 : i32 to vector<1x128xi32>
        %eq3A_116 = arith.cmpi eq, %iota3A, %eq3A : vector<1x128xi32>
        %jit3A_117 = arith.constant 0.000000e+00 : f32
        %broadcast_in_dim3A_118 = vector.broadcast %jit3A_117 : f32 to vector<1x128xf32>
        %select_n3A_119 = arith.select %eq3A_116, %get3A_115, %broadcast_in_dim3A_118 : vector<1x128xi1>, vector<1x128xf32>
        %reduce_max3A = arith.constant dense<0xFF800000> : vector<1xf32>
        %reduce_max3A_120 = vector.multi_reduction <maximumf>, %select_n3A_119, %reduce_max3A [1] : vector<1x128xf32> to vector<1xf32>
        %broadcast_in_dim3A_121 = vector.shape_cast %reduce_max3A_120 : vector<1xf32> to vector<1x1xf32>
        %gt3A_122 = arith.constant 5.000000e-01 : f32
        %gt3A_123 = vector.broadcast %gt3A_122 : f32 to vector<1x128xf32>
        %gt3A_124 = arith.cmpf ogt, %get3A_112, %gt3A_123 : vector<1x128xf32>
        %gt3A_125 = arith.constant 5.000000e-01 : f32
        %gt3A_126 = vector.broadcast %gt3A_125 : f32 to vector<1x1xf32>
        %gt3A_127 = arith.cmpf ogt, %broadcast_in_dim3A_121, %gt3A_126 : vector<1x1xf32>
        %and3A = vector.broadcast %gt3A_127 : vector<1x1xi1> to vector<1x128xi1>
        %and3A_128 = arith.andi %gt3A_124, %and3A : vector<1x128xi1>
        %gt3A_129 = vector.broadcast %scan3A_108 : i32 to vector<1x128xi32>
        %gt3A_130 = arith.cmpi sgt, %iota3A, %gt3A_129 : vector<1x128xi32>
        %and3A_131 = arith.andi %and3A_128, %gt3A_130 : vector<1x128xi1>
        %jit3A_132 = arith.constant 0.000000e+00 : f32
        %broadcast_in_dim3A_133 = vector.broadcast %jit3A_132 : f32 to vector<1x128xf32>
        %select_n3A_134 = arith.select %and3A_131, %broadcast_in_dim3A_133, %get3A_115 : vector<1x128xi1>, vector<1x128xf32>
        %swap3A_135 = arith.constant 0 : index
        %swap3A_136 = arith.constant 0 : index
        %swap3A_137 = vector.load %arg4[%swap3A_135, %swap3A_136] : memref<1x128xf32, #tpu.memory_space<vmem>>, vector<1x128xf32>
        tpu.vector_store %arg4[%swap3A_135, %swap3A_136], %select_n3A_134 {strides = array<i32>} : memref<1x128xf32, #tpu.memory_space<vmem>>, vector<1x128xf32>,
        %scan3A_138 = arith.constant 0 : i32
        scf.yield %scan3A_138 : i32
      }
      %scan3A_80 = arith.constant 128 : i32
      %get3A_81 = arith.constant 0 : index
      %get3A_82 = arith.constant 0 : index
      %get3A_83 = vector.load %arg4[%get3A_81, %get3A_82] : memref<1x128xf32, #tpu.memory_space<vmem>>, vector<1x128xf32>
      %swap3A_84 = arith.constant 0 : index
      %swap3A_85 = arith.index_cast %multiple_of3A : i32 to index
      %swap3A_86 = vector.load %arg2[%swap3A_84, %swap3A_85] : memref<1x4096xf32, #tpu.memory_space<vmem>>, vector<1x128xf32>
      tpu.vector_store %arg2[%swap3A_84, %swap3A_85], %get3A_83 {strides = array<i32>} : memref<1x4096xf32, #tpu.memory_space<vmem>>, vector<1x128xf32>,
      %sub3A_87 = arith.constant 31 : i32
      %sub3A_88 = arith.subi %sub3A_87, %while3A_5 : i32
      %while3A_89 = arith.constant 0 : i32
      %while3A_90 = arith.constant 0 : i32
      %while3A_91 = arith.subi %sub3A_88, %while3A_89 : i32
      %while3A_92 = arith.addi %while3A_89, %while3A_91 : i32
      %while3A_93 = arith.constant 1 : i32
      %while3A_94 = arith.divsi %while3A_91, %while3A_93 : i32
      %while3A_95 = arith.muli %while3A_94, %while3A_93 : i32
      %while3A_96 = arith.addi %while3A_89, %while3A_95 : i32
      %while3A_97 = arith.constant 1 : i32
      %while3A_98 = scf.for %while3A_108 = %while3A_89 to %while3A_96 step %while3A_97 iter_args(%while3A_109 = %while3A_90) -> (i32)  : i32 {
        %add3A_110 = arith.constant 128 : i32
        %add3A_111 = arith.addi %multiple_of3A, %add3A_110 : i32
        %mul3A_112 = arith.constant 128 : i32
        %mul3A_113 = arith.muli %while3A_108, %mul3A_112 : i32
        %add3A_114 = arith.addi %add3A_111, %mul3A_113 : i32
        %multiple_of3A_115 = tpu.assume_multiple %add3A_114, 128 : i32
        %get3A_116 = arith.constant 0 : index
        %get3A_117 = arith.index_cast %multiple_of3A_115 : i32 to index
        %get3A_118 = vector.load %arg0[%get3A_116, %get3A_117] : memref<4x4096xf32, #tpu.memory_space<vmem>>, vector<1x128xf32>
        %get3A_119 = arith.constant 1 : index
        %get3A_120 = arith.index_cast %multiple_of3A_115 : i32 to index
        %get3A_121 = vector.load %arg0[%get3A_119, %get3A_120] : memref<4x4096xf32, #tpu.memory_space<vmem>>, vector<1x128xf32>
        %get3A_122 = arith.constant 2 : index
        %get3A_123 = arith.index_cast %multiple_of3A_115 : i32 to index
        %get3A_124 = vector.load %arg0[%get3A_122, %get3A_123] : memref<4x4096xf32, #tpu.memory_space<vmem>>, vector<1x128xf32>
        %get3A_125 = arith.constant 3 : index
        %get3A_126 = arith.index_cast %multiple_of3A_115 : i32 to index
        %get3A_127 = vector.load %arg0[%get3A_125, %get3A_126] : memref<4x4096xf32, #tpu.memory_space<vmem>>, vector<1x128xf32>
        %sub3A_128 = arith.subf %get3A_124, %get3A_118 : vector<1x128xf32>
        %sub3A_129 = arith.subf %get3A_127, %get3A_121 : vector<1x128xf32>
        %mul3A_130 = arith.mulf %sub3A_128, %sub3A_129 : vector<1x128xf32>
        %max3A_131 = vector.broadcast %get3A_9 : vector<128x1xf32> to vector<128x128xf32>
        %max3A_132 = vector.broadcast %get3A_118 : vector<1x128xf32> to vector<128x128xf32>
        %max3A_133 = arith.maximumf %max3A_131, %max3A_132 : vector<128x128xf32>
        %max3A_134 = vector.broadcast %get3A_12 : vector<128x1xf32> to vector<128x128xf32>
        %max3A_135 = vector.broadcast %get3A_121 : vector<1x128xf32> to vector<128x128xf32>
        %max3A_136 = arith.maximumf %max3A_134, %max3A_135 : vector<128x128xf32>
        %min3A_137 = vector.broadcast %get3A_15 : vector<128x1xf32> to vector<128x128xf32>
        %min3A_138 = vector.broadcast %get3A_124 : vector<1x128xf32> to vector<128x128xf32>
        %min3A_139 = arith.minimumf %min3A_137, %min3A_138 : vector<128x128xf32>
        %min3A_140 = vector.broadcast %get3A_18 : vector<128x1xf32> to vector<128x128xf32>
        %min3A_141 = vector.broadcast %get3A_127 : vector<1x128xf32> to vector<128x128xf32>
        %min3A_142 = arith.minimumf %min3A_140, %min3A_141 : vector<128x128xf32>
        %sub3A_143 = arith.subf %min3A_139, %max3A_133 : vector<128x128xf32>
        %max3A_144 = arith.constant 0.000000e+00 : f32
        %max3A_145 = vector.broadcast %max3A_144 : f32 to vector<128x128xf32>
        %max3A_146 = arith.maximumf %sub3A_143, %max3A_145 : vector<128x128xf32>
        %sub3A_147 = arith.subf %min3A_142, %max3A_136 : vector<128x128xf32>
        %max3A_148 = arith.constant 0.000000e+00 : f32
        %max3A_149 = vector.broadcast %max3A_148 : f32 to vector<128x128xf32>
        %max3A_150 = arith.maximumf %sub3A_147, %max3A_149 : vector<128x128xf32>
        %mul3A_151 = arith.mulf %max3A_146, %max3A_150 : vector<128x128xf32>
        %add3A_152 = vector.broadcast %mul3A_20 : vector<128x1xf32> to vector<128x128xf32>
        %add3A_153 = vector.broadcast %mul3A_130 : vector<1x128xf32> to vector<128x128xf32>
        %add3A_154 = arith.addf %add3A_152, %add3A_153 : vector<128x128xf32>
        %sub3A_155 = arith.subf %add3A_154, %mul3A_151 : vector<128x128xf32>
        %add3A_156 = arith.constant 9.99999996E-13 : f32
        %add3A_157 = vector.broadcast %add3A_156 : f32 to vector<128x128xf32>
        %add3A_158 = arith.addf %sub3A_155, %add3A_157 : vector<128x128xf32>
        %div3A_159 = arith.divf %mul3A_151, %add3A_158 : vector<128x128xf32>
        %gt3A_160 = arith.constant 4.500000e-01 : f32
        %gt3A_161 = vector.broadcast %gt3A_160 : f32 to vector<128x128xf32>
        %gt3A_162 = arith.cmpf ogt, %div3A_159, %gt3A_161 : vector<128x128xf32>
        %jit3A_163 = arith.constant 1.000000e+00 : f32
        %jit3A_164 = arith.constant 0.000000e+00 : f32
        %broadcast_in_dim3A_165 = vector.broadcast %jit3A_163 : f32 to vector<128x128xf32>
        %broadcast_in_dim3A_166 = vector.broadcast %jit3A_164 : f32 to vector<128x128xf32>
        %select_n3A_167 = arith.select %gt3A_162, %broadcast_in_dim3A_165, %broadcast_in_dim3A_166 : vector<128x128xi1>, vector<128x128xf32>
        %dot_general3A = arith.constant dense<0.000000e+00> : vector<1x128xf32>
        %dot_general3A_168 = tpu.matmul %get3A_83, %select_n3A_167, %dot_general3A {dimension_numbers = #tpu.dot_dimension_numbers<[1], [0], [0], [1], [0, 0, 1, 1], [], []>, transpose_lhs_hint = false} : vector<1x128xf32>, vector<128x128xf32>, vector<1x128xf32> -> vector<1x128xf32>
        %get3A_169 = arith.constant 0 : index
        %get3A_170 = arith.index_cast %multiple_of3A_115 : i32 to index
        %get3A_171 = vector.load %arg2[%get3A_169, %get3A_170] : memref<1x4096xf32, #tpu.memory_space<vmem>>, vector<1x128xf32>
        %gt3A_172 = arith.constant 0.000000e+00 : f32
        %gt3A_173 = vector.broadcast %gt3A_172 : f32 to vector<1x128xf32>
        %gt3A_174 = arith.cmpf ogt, %dot_general3A_168, %gt3A_173 : vector<1x128xf32>
        %jit3A_175 = arith.constant 0.000000e+00 : f32
        %broadcast_in_dim3A_176 = vector.broadcast %jit3A_175 : f32 to vector<1x128xf32>
        %select_n3A_177 = arith.select %gt3A_174, %broadcast_in_dim3A_176, %get3A_171 : vector<1x128xi1>, vector<1x128xf32>
        %swap3A_178 = arith.constant 0 : index
        %swap3A_179 = arith.index_cast %multiple_of3A_115 : i32 to index
        %swap3A_180 = vector.load %arg2[%swap3A_178, %swap3A_179] : memref<1x4096xf32, #tpu.memory_space<vmem>>, vector<1x128xf32>
        tpu.vector_store %arg2[%swap3A_178, %swap3A_179], %select_n3A_177 {strides = array<i32>} : memref<1x4096xf32, #tpu.memory_space<vmem>>, vector<1x128xf32>,
        %while3A_181 = arith.constant 0 : i32
        scf.yield %while3A_181 : i32
      }
      %while3A_99 = arith.constant 1 : i32
      %while3A_100 = scf.for %while3A_108 = %while3A_96 to %while3A_92 step %while3A_99 iter_args(%while3A_109 = %while3A_98) -> (i32)  : i32 {
        %add3A_110 = arith.constant 128 : i32
        %add3A_111 = arith.addi %multiple_of3A, %add3A_110 : i32
        %mul3A_112 = arith.constant 128 : i32
        %mul3A_113 = arith.muli %while3A_108, %mul3A_112 : i32
        %add3A_114 = arith.addi %add3A_111, %mul3A_113 : i32
        %multiple_of3A_115 = tpu.assume_multiple %add3A_114, 128 : i32
        %get3A_116 = arith.constant 0 : index
        %get3A_117 = arith.index_cast %multiple_of3A_115 : i32 to index
        %get3A_118 = vector.load %arg0[%get3A_116, %get3A_117] : memref<4x4096xf32, #tpu.memory_space<vmem>>, vector<1x128xf32>
        %get3A_119 = arith.constant 1 : index
        %get3A_120 = arith.index_cast %multiple_of3A_115 : i32 to index
        %get3A_121 = vector.load %arg0[%get3A_119, %get3A_120] : memref<4x4096xf32, #tpu.memory_space<vmem>>, vector<1x128xf32>
        %get3A_122 = arith.constant 2 : index
        %get3A_123 = arith.index_cast %multiple_of3A_115 : i32 to index
        %get3A_124 = vector.load %arg0[%get3A_122, %get3A_123] : memref<4x4096xf32, #tpu.memory_space<vmem>>, vector<1x128xf32>
        %get3A_125 = arith.constant 3 : index
        %get3A_126 = arith.index_cast %multiple_of3A_115 : i32 to index
        %get3A_127 = vector.load %arg0[%get3A_125, %get3A_126] : memref<4x4096xf32, #tpu.memory_space<vmem>>, vector<1x128xf32>
        %sub3A_128 = arith.subf %get3A_124, %get3A_118 : vector<1x128xf32>
        %sub3A_129 = arith.subf %get3A_127, %get3A_121 : vector<1x128xf32>
        %mul3A_130 = arith.mulf %sub3A_128, %sub3A_129 : vector<1x128xf32>
        %max3A_131 = vector.broadcast %get3A_9 : vector<128x1xf32> to vector<128x128xf32>
        %max3A_132 = vector.broadcast %get3A_118 : vector<1x128xf32> to vector<128x128xf32>
        %max3A_133 = arith.maximumf %max3A_131, %max3A_132 : vector<128x128xf32>
        %max3A_134 = vector.broadcast %get3A_12 : vector<128x1xf32> to vector<128x128xf32>
        %max3A_135 = vector.broadcast %get3A_121 : vector<1x128xf32> to vector<128x128xf32>
        %max3A_136 = arith.maximumf %max3A_134, %max3A_135 : vector<128x128xf32>
        %min3A_137 = vector.broadcast %get3A_15 : vector<128x1xf32> to vector<128x128xf32>
        %min3A_138 = vector.broadcast %get3A_124 : vector<1x128xf32> to vector<128x128xf32>
        %min3A_139 = arith.minimumf %min3A_137, %min3A_138 : vector<128x128xf32>
        %min3A_140 = vector.broadcast %get3A_18 : vector<128x1xf32> to vector<128x128xf32>
        %min3A_141 = vector.broadcast %get3A_127 : vector<1x128xf32> to vector<128x128xf32>
        %min3A_142 = arith.minimumf %min3A_140, %min3A_141 : vector<128x128xf32>
        %sub3A_143 = arith.subf %min3A_139, %max3A_133 : vector<128x128xf32>
        %max3A_144 = arith.constant 0.000000e+00 : f32
        %max3A_145 = vector.broadcast %max3A_144 : f32 to vector<128x128xf32>
        %max3A_146 = arith.maximumf %sub3A_143, %max3A_145 : vector<128x128xf32>
        %sub3A_147 = arith.subf %min3A_142, %max3A_136 : vector<128x128xf32>
        %max3A_148 = arith.constant 0.000000e+00 : f32
        %max3A_149 = vector.broadcast %max3A_148 : f32 to vector<128x128xf32>
        %max3A_150 = arith.maximumf %sub3A_147, %max3A_149 : vector<128x128xf32>
        %mul3A_151 = arith.mulf %max3A_146, %max3A_150 : vector<128x128xf32>
        %add3A_152 = vector.broadcast %mul3A_20 : vector<128x1xf32> to vector<128x128xf32>
        %add3A_153 = vector.broadcast %mul3A_130 : vector<1x128xf32> to vector<128x128xf32>
        %add3A_154 = arith.addf %add3A_152, %add3A_153 : vector<128x128xf32>
        %sub3A_155 = arith.subf %add3A_154, %mul3A_151 : vector<128x128xf32>
        %add3A_156 = arith.constant 9.99999996E-13 : f32
        %add3A_157 = vector.broadcast %add3A_156 : f32 to vector<128x128xf32>
        %add3A_158 = arith.addf %sub3A_155, %add3A_157 : vector<128x128xf32>
        %div3A_159 = arith.divf %mul3A_151, %add3A_158 : vector<128x128xf32>
        %gt3A_160 = arith.constant 4.500000e-01 : f32
        %gt3A_161 = vector.broadcast %gt3A_160 : f32 to vector<128x128xf32>
        %gt3A_162 = arith.cmpf ogt, %div3A_159, %gt3A_161 : vector<128x128xf32>
        %jit3A_163 = arith.constant 1.000000e+00 : f32
        %jit3A_164 = arith.constant 0.000000e+00 : f32
        %broadcast_in_dim3A_165 = vector.broadcast %jit3A_163 : f32 to vector<128x128xf32>
        %broadcast_in_dim3A_166 = vector.broadcast %jit3A_164 : f32 to vector<128x128xf32>
        %select_n3A_167 = arith.select %gt3A_162, %broadcast_in_dim3A_165, %broadcast_in_dim3A_166 : vector<128x128xi1>, vector<128x128xf32>
        %dot_general3A = arith.constant dense<0.000000e+00> : vector<1x128xf32>
        %dot_general3A_168 = tpu.matmul %get3A_83, %select_n3A_167, %dot_general3A {dimension_numbers = #tpu.dot_dimension_numbers<[1], [0], [0], [1], [0, 0, 1, 1], [], []>, transpose_lhs_hint = false} : vector<1x128xf32>, vector<128x128xf32>, vector<1x128xf32> -> vector<1x128xf32>
        %get3A_169 = arith.constant 0 : index
        %get3A_170 = arith.index_cast %multiple_of3A_115 : i32 to index
        %get3A_171 = vector.load %arg2[%get3A_169, %get3A_170] : memref<1x4096xf32, #tpu.memory_space<vmem>>, vector<1x128xf32>
        %gt3A_172 = arith.constant 0.000000e+00 : f32
        %gt3A_173 = vector.broadcast %gt3A_172 : f32 to vector<1x128xf32>
        %gt3A_174 = arith.cmpf ogt, %dot_general3A_168, %gt3A_173 : vector<1x128xf32>
        %jit3A_175 = arith.constant 0.000000e+00 : f32
        %broadcast_in_dim3A_176 = vector.broadcast %jit3A_175 : f32 to vector<1x128xf32>
        %select_n3A_177 = arith.select %gt3A_174, %broadcast_in_dim3A_176, %get3A_171 : vector<1x128xi1>, vector<1x128xf32>
        %swap3A_178 = arith.constant 0 : index
        %swap3A_179 = arith.index_cast %multiple_of3A_115 : i32 to index
        %swap3A_180 = vector.load %arg2[%swap3A_178, %swap3A_179] : memref<1x4096xf32, #tpu.memory_space<vmem>>, vector<1x128xf32>
        tpu.vector_store %arg2[%swap3A_178, %swap3A_179], %select_n3A_177 {strides = array<i32>} : memref<1x4096xf32, #tpu.memory_space<vmem>>, vector<1x128xf32>,
        %while3A_181 = arith.constant 0 : i32
        scf.yield %while3A_181 : i32
      }
      %reduce_sum3A = vector.shape_cast %get3A_83 : vector<1x128xf32> to vector<1x1x128xf32>
      %reduce_sum3A_101 = arith.constant dense<0.000000e+00> : vector<1xf32>
      %reduce_sum3A_102 = vector.multi_reduction <add>, %reduce_sum3A, %reduce_sum3A_101 [1, 2] : vector<1x1x128xf32> to vector<1xf32>
      %reduce_sum3A_103 = vector.shape_cast %reduce_sum3A_102 : vector<1xf32> to vector<1x1x1xf32>
      %reduce_sum3A_104 = vector.extract %reduce_sum3A_103[0, 0, 0] : f32 from vector<1x1x1xf32>
      %convert_element_type3A = arith.fptosi %reduce_sum3A_104 : f32 to i32
      %add3A_105 = arith.addi %while3A_6, %convert_element_type3A : i32
      %add3A_106 = arith.constant 1 : i32
      %add3A_107 = arith.addi %while3A_5, %add3A_106 : i32
      scf.yield %add3A_107, %add3A_105 : i32, i32
    }
    return
  }
}

</mosaic_0001>

<sc_bundles>
// kernel: gather_offload_async_start
scs
__scs_entry_jumppad:
0x0: {  	(pc) =	sbr.rel $0x88, $3  }
0x1: {  	(tag) =	ssettag $0x0;
	lr =	simm.s32 $0x1  }
0x2: {  	[smem:$0x3F9E] =	sst lr;
	_ =	strace $0xD0000000  }
0x3: {  	_ = 	snop  }
0x4: {  	_ = 	snop  }
0x5: {  	_ = 	snop  }
0x6: {  	_ = 	snop  }
0x7: {  	_ = 	snop  }
__scs_overlays_trampoline_lowered:
0x8: {  	[smem:$0x3FAD] =	sst s0  }
0x9: {  	[smem:$0x3FAE] =	sst s1  }
0xa: {  	[smem:$0x3FAF] =	sst s2  }
0xb: {  	[smem:$0x3FB0] =	sst s3  }
0xc: {  	[smem:$0x3FB1] =	sst s4  }
0xd: {  	[smem:$0x3FB2] =	sst s5  }
0xe: {  	[smem:$0x3FB3] =	sst s6  }
0xf: {  	[smem:$0x3FB4] =	sst s7  }
0x10: {  	[smem:$0x3FB5] =	sst s8  }
0x11: {  	[smem:$0x3FB6] =	sst s9;
	s0 =	simm.s32 @!p0 $0x0  }
0x12: {  	s1 =	sld [smem:$0x3F9C];
	s0 =	simm.s32 @p0 $0x1  }
0x13: {  	[smem:$0x3FB7] =	sst s0;
	s0 =	simm.s32 @!p1 $0x0  }
0x14: {  	s2 =	sld [smem:$0x3F9B];
	s0 =	simm.s32 @p1 $0x1  }
0x15: {  	[smem:$0x3FB8] =	sst s0;
	s0 =	simm.s32 @!p2 $0x0  }
0x16: {  	s3 =	sld [smem:$0x3FDB];
	s0 =	simm.s32 @p2 $0x1  }
0x17: {  	s4 =	simm.s32 $0x1BF5;
	[smem:$0x3FBA] =	sst s0  }
0x18: {  	s0 =	sld [smem:$0x3F9D];
	_ =	swait.ge [sflag:s4], $0x0  }
0x19: {  	s7 =	sld [smem:$0x3F9E]  }
0x1a: {  	s8 =	sadd.s32 $0xFFFFE003, lr  }
0x1b: {  	s9 =	sadd.s32 $0xFFFFFEF7, lr;
	s5 =	simm.s32 $0xFFFFFFFF;
	p2 =	slt.u32 s8, $0xFFFFF086  }
0x1c: {  	p1 =	slt.u32 s9, $0xF7A;
	s5 =	simm.s32 @!p2 $0x0  }
0x1d: {  	s5 =	simm.s32 @p1 $0x1;
	p0 =	seq.s32 s7, s2  }
0x1e: {  	s7 =	smul.u32 @!p0 $0xF7A, s2;
	p2 =	seq.s32 @!p0 s5, $0x0  }
0x1f: {  	s9 =	smul.u32 $0xF7A, s1;
	s8 =	simm.s32 @!p0 $0x1BF5;
	p2 =	por !p2, p0  }
0x20: {  	[sflag:s8] =	ssyncset.s32 @!p0 $0xFFFFF086;
	s6 =	sadd.s32 @!p0 s3, s7;
	s7 =	simm.s32 @!p0 $0x108  }
0x21: {  	s3 =	sadd.s32 s3, s9;
	s6 =	sadd.s32 @!p0 $0x88, s6;
	s7 =	simm.s32 @p2 $0x1082  }
0x22: {  	[simem:s7], [sflag:s8] =	dma.local @!p0 [hbm:s6], $0xF7A  }
0x23: {  	s9 =	sor.u32 $0xD0000000, s2;
	s6 =	simm.s32 $0x108;
	_ =	swait.ge @!p0 [sflag:s8], $0x0  }
0x24: {  	s3 =	sadd.s32 $0x88, s3;
	s6 =	simm.s32 @!p1 $0x1082;
	[sflag:s4] =	ssyncset.s32 $0xFFFFF086  }
0x25: {  	[simem:s6], [sflag:s4] =	dma.local [hbm:s3], $0xF7A  }
0x26: {  	[smem:$0x3F9E] =	sst s1;
	(tag) =	ssettag s2;
	_ =	strace s9  }
0x27: {  	s1 =	sld [smem:$0x3FAE]  }
0x28: {  	s2 =	sld [smem:$0x3FAF]  }
0x29: {  	s4 =	sld [smem:$0x3FB1]  }
0x2a: {  	p0 =	seq.s32 s5, $0x0;
	s5 =	sld [smem:$0x3FB2]  }
0x2b: {  	s6 =	sld [smem:$0x3FB3]  }
0x2c: {  	s7 =	sld [smem:$0x3FB4]  }
0x2d: {  	s3 =	simm.s32 $0x108;
	s8 =	sld [smem:$0x3FB5]  }
0x2e: {  	s3 =	simm.s32 @!p0 $0x1082;
	s9 =	sld [smem:$0x3FB6]  }
0x2f: {  	lr =	sadd.s32 s0, s3;
	s0 =	sld [smem:$0x3FAD]  }
0x30: {  	s3 =	sld [smem:$0x3FB0]  }
0x31: {  	[smem:$0x3FB9] =	sst s10  }
0x32: {  	s10 =	sld [smem:$0x3FB7];
	_ =	sdelay $0x3  }
0x33: {  	p0 =	seq.s32 s10, $0x1;
	s10 =	sld [smem:$0x3FB9];
	_ =	sdelay $0x3  }
0x34: {  	[smem:$0x3FB9] =	sst s10  }
0x35: {  	s10 =	sld [smem:$0x3FB8];
	_ =	sdelay $0x3  }
0x36: {  	p1 =	seq.s32 s10, $0x1;
	s10 =	sld [smem:$0x3FB9];
	_ =	sdelay $0x3  }
0x37: {  	[smem:$0x3FB9] =	sst s10  }
0x38: {  	s10 =	sld [smem:$0x3FBA]  }
0x39: {  	_ = 	snop;
	(pc) =	sbr.ind lr, $3  }
0x3a: {  	_ = 	snop  }
0x3b: {  	_ = 	snop  }
0x3c: {  	p2 =	seq.s32 s10, $0x1;
	s10 =	sld [smem:$0x3FB9]  }
0x3d: {  	_ =	shalt  }
0x3e: {  	_ =	shalt  }
0x3f: {  	_ =	shalt  }
0x40: {  	_ =	shalt  }
0x41: {  	_ =	shalt  }
0x42: {  	_ =	shalt  }
0x43: {  	_ =	shalt  }
0x44: {  	_ =	shalt  }
0x45: {  	_ =	shalt  }
0x46: {  	_ =	shalt  }
0x47: {  	_ =	shalt  }
0x48: {  	_ =	shalt  }
0x49: {  	_ =	shalt  }
0x4a: {  	_ =	shalt  }
0x4b: {  	_ =	shalt  }
0x4c: {  	_ =	shalt  }
0x4d: {  	_ =	shalt  }
0x4e: {  	_ =	shalt  }
0x4f: {  	_ =	shalt  }
0x50: {  	_ =	shalt  }
0x51: {  	_ =	shalt  }
0x52: {  	_ =	shalt  }
0x53: {  	_ =	shalt  }
0x54: {  	_ =	shalt  }
0x55: {  	_ =	shalt  }
0x56: {  	_ =	shalt  }
0x57: {  	_ =	shalt  }
0x58: {  	_ =	shalt  }
0x59: {  	_ =	shalt  }
0x5a: {  	_ =	shalt  }
0x5b: {  	_ =	shalt  }
0x5c: {  	_ =	shalt  }
0x5d: {  	_ =	shalt  }
0x5e: {  	_ =	shalt  }
0x5f: {  	_ =	shalt  }
0x60: {  	_ =	shalt  }
0x61: {  	_ =	shalt  }
0x62: {  	_ =	shalt  }
0x63: {  	_ =	shalt  }
0x64: {  	_ =	shalt  }
0x65: {  	_ =	shalt  }
0x66: {  	_ =	shalt  }
0x67: {  	_ =	shalt  }
0x68: {  	_ =	shalt  }
0x69: {  	_ =	shalt  }
0x6a: {  	_ =	shalt  }
0x6b: {  	_ =	shalt  }
0x6c: {  	_ =	shalt  }
0x6d: {  	_ =	shalt  }
0x6e: {  	_ =	shalt  }
0x6f: {  	_ =	shalt  }
0x70: {  	_ =	shalt  }
0x71: {  	_ =	shalt  }
0x72: {  	_ =	shalt  }
0x73: {  	_ =	shalt  }
0x74: {  	_ =	shalt  }
0x75: {  	_ =	shalt  }
0x76: {  	_ =	shalt  }
0x77: {  	_ =	shalt  }
0x78: {  	_ =	shalt  }
0x79: {  	_ =	shalt  }
0x7a: {  	_ =	shalt  }
0x7b: {  	_ =	shalt  }
0x7c: {  	_ =	shalt  }
0x7d: {  	_ =	shalt  }
0x7e: {  	_ =	shalt  }
0x7f: {  	_ =	shalt  }
0x80: {  	_ =	shalt  }
0x81: {  	_ =	shalt  }
0x82: {  	_ =	shalt  }
0x83: {  	_ =	shalt  }
0x84: {  	_ =	shalt  }
0x85: {  	_ =	shalt  }
0x86: {  	_ =	shalt  }
0x87: {  	_ =	shalt  }
.Lfunc_end0:
.L_simem_size_0:
called_computation_lowered:
.L_overlay_start_0:
0x88: {  	s2 =	sld [smem:$0x3FD9]  }
0x89: {  	s3 =	sld [smem:$0x3FFE];
	_ =	sdelay $0x1  }
0x8a: {  	s1 =	srdreg.scid  }
0x8b: {  	s0 =	sand.u32 $0x1, s1  }
0x8c: {  	s16 =	sshll.u32 s0, $0xA;
	s2 =	sadd.s32 s3, s2  }
0x8d: {  	s2 =	sadd.s32 s2, s16  }
0x8e: {  	[smem:$0x3FC5] =	sst s2  }
0x8f: {  	_ = 	snop  }
0x90: {  	(tm) =	ssettm $0x1  }
0x91: {  	s17 =	sld [smem:$0x3FFB];
	_ =	sdelay $0x3  }
0x92: {  	_ =	strace s17  }
0x93: {  	s2 =	sld [smem:$0x3FFC];
	_ =	sdelay $0x3  }
0x94: {  	_ =	strace s2  }
0x95: {  	s2 =	sld [smem:$0x3FFD];
	_ =	sdelay $0x3  }
0x96: {  	_ =	strace s2  }
0x97: {  	_ =	strace $0x8FFFFFFF  }
0x98: {  	s18 =	sld [smem:$0x3FDB];
	_ =	sdelay $0x1  }
0x99: {  	s19 =	simm.s32 $_scs_section_size  }
0x9a: {  	s4 =	simm.s32 $_size__tile_overlayer_lowered;
	s5 =	simm.s32 $_tile_overlayer_lowered  }
0x9b: {  	s22 =	simm.s32 $0x1BFF;
	s21 =	sshll.u32 s5, $0x1;
	s2 =	sadd.s32 s19, s18  }
0x9c: {  	s6 =	simm.s32 $0x0;
	s20 =	sshll.u32 s4, $0x1;
	s4 =	sadd.s32 s21, s2  }
0x9d: {  	[timem:s6], [sflag:s22] =	dma.local [hbm:s4], s20  }
0x9e: {  	_ =	swait.ge [sflag:s22], s20  }
0x9f: {  	s3 =	ssub.s32 $0x0, s20;
	[sflag:s22] =	ssyncset.done $0x0  }
0xa0: {  	[sflag:s22] =	ssyncadd.s32 s3;
	_ =	sdelay $0x1  }
0xa1: {  	s23 =	simm.s32 $0x1B8B  }
0xa2: {  	_ =	swait.ge [sflag:s23], $0x1  }
0xa3: {  	[sflag:s23] =	ssyncset.done $0x0  }
0xa4: {  	s25 =	simm.s32 $0x1B8E;
	s24 =	sld [smem:$0x3FFE];
	[sflag:s23] =	ssyncadd.s32 $0xFFFFFFFF  }
0xa5: {  	s26 =	simm.s32 $execute0_lowered;
	[smem:$0x3FD2] =	sst s25  }
0xa6: {  	s4 =	sshll.u32 s26, $0x1;
	_ =	strace $0x80000046;
	[dreg:$0x1] =	wrdreg $0xFFFFFFFF  }
0xa7: {  	s28 =	simm.s32 $_size_execute0_lowered;
	s2 =	sadd.s32 s2, s4;
	[dreg:$0x0] =	wrdreg $0x0  }
0xa8: {  	s4 =	sshll.u32 s28, $0x1;
	[dreg:$0x2] =	wrdreg s2  }
0xa9: {  	[dreg:$0x3] =	wrdreg s4  }
0xaa: {  	[dreg:$0x4] =	wrdreg $0xC0  }
0xab: {  	_ =	task [dreg:s6], $0x5FFFF  }
0xac: {  	[dreg:$0x1] =	wrdreg $0xFFFFFFFF  }
0xad: {  	[dreg:$0x0] =	wrdreg $0x60  }
0xae: {  	[dreg:$0x2] =	wrdreg s24  }
0xaf: {  	[dreg:$0x3] =	wrdreg $0x9  }
0xb0: {  	_ =	task.clear_ibuf [dreg:s6], $0x4FFFF;
	_ =	strace $0x90000046  }
0xb1: {  	s29 =	simm.s32 $0x9;
	_ =	strace $0x80000048  }
0xb2: {  	_ =	swait.ge [sflag:s29], $0x1  }
0xb3: {  	[sflag:s29] =	ssyncadd.s32 $0xFFFFFFFF  }
0xb4: {  	_ =	strace $0x90000048  }
0xb5: {  	_ =	sfence  }
0xb6: {  	s30 =	sld [smem:$0x0];
	_ =	sdelay $0x2  }
0xb7: {  	s31 =	sshll.u32 s1, $0xD;
	s1 =	sshrl.u32 s1, $0x2  }
0xb8: {  	s3 =	sand.u32 $0x4000, s31;
	s1 =	sadd.s32 s1, s30  }
0xb9: {  	s0 =	sor.u32 s3, s0;
	s1 =	sshll.u32 s1, $0x11  }
0xba: {  	s0 =	sor.u32 s1, s0  }
0xbb: {  	s0 =	sadd.s32 $0x8F2B, s0  }
0xbc: {  	[sflag:s0] =	ssyncadd.remote.s32 $0x1  }
0xbd: {  	_ =	sfence.sel $0xFFFF  }
0xbe: {  	[dreg:$0x0] =	wrdreg $0xFFFFFFFF;
	(pc) =	sbr.abs _section_cstart, $3  }
0xbf: {  	[dreg:$0x1] =	wrdreg $0xFFFFFFFF  }
0xc0: {  	_ =	task.clear_ibuf [dreg:s6], $0x2FFFF;
	_ =	strace $0x9FFFFFFF  }
0xc1: {  	(tm) =	ssettm $0x7FFFFFFF  }
tec
execute0_lowered:
.L_overlay_start_1:
0x0: {  	(tag) =	ssettag $0x1  }
0x1: {  	s7 =	rddreg [dreg:$0x0]  }
0x2: {  	s0 =	rddreg [dreg:$0x1];
	_ =	strace $0x80000047  }
0x3: {  	s1 =	srdreg.scid;
	s4 =	simm.s32 $0x1;
	s9 =	simm.s32 $0x3  }
0x4: {  	s12 =	simm.s32 $0x0;
	s10 =	simm.s32 $0x0;
	s5 =	sshll.u32 s1, $0x4  }
.Ltmp0:
0x5: {  	s1 =	stileid.u32;
	s5 =	sand.u32 $0x10, s5;
	(pc) =	sbr.rel .LBB2_1-.Ltmp0, $4  }
0x6: {  	s2 =	sadd.s32 $0x600, s7;
	s3 =	sadd.s32 $0x400, s7;
	s6 =	sor.u32 s1, s5  }
0x7: {  	[sflag:s4] =	ssyncpa.u1 $0x0;
	s5 =	simm.s32 $0x2;
	s6 =	sshll.u32 s6, $0x7  }
0x8: {  	s7 =	sadd.s32 $0x4E800, s7;
	[sflag:s5] =	ssyncpa.u1 $0x0;
	s8 =	sadd.s32 $0x80, s6  }
0x9: {  	vm0 =	vmmov $0xff;
	vm1 =	vcmask $0x3F20;
	[sflag:s9] =	ssyncpa.u1 $0x0;
	s9 =	simm.s32 $0x80;
	s11 =	smov.u32 s6  }
.LBB2_9:
0xa: {  	p0 =	seq.s32 s10, $0x2  }
.Ltmp1:
0xb: {  	_ = 	snop;
	(pc) =	sbr.rel @p0 .LBB2_11-.Ltmp1, $1  }
0xc: {  	_ =	sdelay $0x3  }
.LBB2_10:
0xd: {  	s12 =	sadd.s32 $0x80, s11  }
0xe: {  	s13 =	smov.u32 s6;
	p0 =	slt.s32 s12, s8  }
0xf: {  	s13 =	smov.u32 @p0 s12  }
0x10: {  	s10 =	sadd.s32 $0x1, s10;
	s12 =	smov.u32 s11;
	s11 =	smov.u32 s13  }
.LBB2_1:
0x11: {  	p0 =	sne.s32 s10, $0x0  }
.Ltmp2:
0x12: {  	_ = 	snop;
	(pc) =	sbr.rel @!p0 .LBB2_2-.Ltmp2, $1  }
0x13: {  	_ =	sdelay $0x3  }
0x14: {  	s13 =	sand.u32 $0x1, s10  }
0x15: {  	p0 =	seq.s32 s13, $0x0  }
.Ltmp3:
0x16: {  	_ = 	snop;
	(pc) =	sbr.rel @p0 .LBB2_9-.Ltmp3, $1  }
0x17: {  	_ =	sdelay $0x3  }
0x18: {  	_ =	swait.ge [sflag:s5], $0x80  }
0x19: {  	[sflag:s5] =	ssyncset.done $0x0  }
0x1a: {  	s13 =	simm.s32 $0x0;
	[sflag:s5] =	ssyncadd.s32 $0xFFFFFF80  }
0x1b: {  	v0 =	vld.msk [tilespmem:s13+$0x80 ss:$0x1], $0xffff;
	_ =	sdelay $0x4  }
0x1c: {  	vm2 =	vgt.s32 v0, $0x0  }
0x1d: {  	v0 =	vnsel vm2, $0x0, v0  }
0x1e: {  	v0 =	vmin.u32 v0, $0x4E1F  }
0x1f: {  	v0 =	vshll.u32 v0, $0x4;
	_ =	sdelay $0x3  }
0x20: {  	s13 =	simm.s32 $0x4100  }
0x21: {  	[tilespmem:s13], [sflag:$0x1] =	stream.indirect_vreg.gather [hbm:s2], $0x80, v0, vm0, $0x38;
	[tilespmem:$0x8100] =	vst v63  }
0x22: {  	s14 =	simm.s32 $0x4500;
	s31 =	simm.s32 $0x10  }
0x23: {  	[tilespmem:s14], [sflag:$0x1] =	stream.indirect_vreg.gather [hbm:s2], $0x80, v0, vm1, $0x38;
	[tilespmem:$0x8100] =	vst v63  }
0x24: {  	s14 =	simm.s32 $0x80;
	v0 =	vld.msk [tilespmem:s31+$0x80 ss:$0x1], $0xffff  }
.LBB2_5:
0x25: {  	p0 =	sne.s32 s14, $0x1C0;
	_ =	sdelay $0x4  }
0x26: {  	vm2 =	vgt.s32 v0, $0x0  }
0x27: {  	v0 =	vnsel vm2, $0x0, v0  }
0x28: {  	v0 =	vmin.u32 v0, $0x4E1F  }
0x29: {  	v0 =	vshll.u32 v0, $0x4;
	_ =	sdelay $0x3  }
.Ltmp4:
0x2a: {  	s13 =	sadd.s32 $0x800, s13;
	(pc) =	sbr.rel @p0 .LBB2_5-.Ltmp4, $4  }
0x2b: {  	[tilespmem:s13], [sflag:$0x1] =	stream.indirect_vreg.gather [hbm:s2], $0x80, v0, vm0, $0x38;
	[tilespmem:$0x8100] =	vst v63  }
0x2c: {  	s15 =	sshra.s32 s14, $0x2;
	s16 =	sadd.s32 $0x400, s13  }
0x2d: {  	[tilespmem:s16], [sflag:$0x1] =	stream.indirect_vreg.gather [hbm:s2], $0x80, v0, vm1, $0x38;
	[tilespmem:$0x8100] =	vst v63  }
0x2e: {  	s14 =	sadd.s32 $0x40, s14;
	v0 =	vld.msk [tilespmem:s15+$0x80 ss:$0x1], $0xffff  }
0x2f: {  	_ =	sdelay $0x3  }
0x30: {  	vm2 =	vgt.s32 v0, $0x0  }
0x31: {  	v0 =	vnsel vm2, $0x0, v0  }
0x32: {  	v0 =	vmin.u32 v0, $0x4E1F  }
0x33: {  	v0 =	vshll.u32 v0, $0x4;
	_ =	sdelay $0x3  }
0x34: {  	s13 =	sadd.s32 $0x800, s13  }
0x35: {  	[tilespmem:s13], [sflag:$0x1] =	stream.indirect_vreg.gather [hbm:s2], $0x80, v0, vm0, $0x38;
	[tilespmem:$0x8100] =	vst v63  }
0x36: {  	s13 =	sadd.s32 $0x400, s13  }
0x37: {  	[tilespmem:s13], [sflag:$0x1] =	stream.indirect_vreg.gather [hbm:s2], $0x80, v0, vm1, $0x38;
	[tilespmem:$0x8100] =	vst v63  }
0x38: {  	s12 =	sshll.u32 s12, $0x4;
	s14 =	simm.s32 $0x80;
	_ =	swait.ge [sflag:s4], $0x4000  }
0x39: {  	s15 =	simm.s32 $0x4500;
	s12 =	sadd.s32 s12, s7;
	[sflag:s4] =	ssyncset.done $0x0  }
0x3a: {  	s16 =	sadd.s32 $0x0, s12;
	s13 =	simm.s32 $0x4100;
	[sflag:s4] =	ssyncadd.s32 $0xFFFFC000  }
.LBB2_7:
0x3b: {  	[hbm:s16] =	stream.linear.scatter [tilespmem:s13], [sflag:$0x3], $0x400, $0x38;
	[tilespmem:$0x8100] =	vst v63  }
0x3c: {  	s16 =	smov.u32 s14;
	s13 =	smov.u32 s15;
	p0 =	sne.s32 s14, $0x780  }
.Ltmp5:
0x3d: {  	s14 =	sadd.s32 $0x80, s14;
	(pc) =	sbr.rel @p0 .LBB2_7-.Ltmp5, $2  }
0x3e: {  	_ =	sdelay $0x2  }
0x3f: {  	s15 =	sadd.s32 $0x400, s15;
	s16 =	sadd.s32 s16, s12  }
.Ltmp6:
0x40: {  	(pc) =	sbr.rel .LBB2_9-.Ltmp6, $2  }
0x41: {  	_ =	sdelay $0x2  }
0x42: {  	[hbm:s16] =	stream.linear.scatter [tilespmem:s13], [sflag:$0x3], $0x400, $0x38;
	[tilespmem:$0x8100] =	vst v63  }
.LBB2_2:
.Ltmp7:
0x43: {  	(pc) =	sbr.rel .LBB2_10-.Ltmp7, $4  }
0x44: {  	_ = 	snop  }
0x45: {  	s12 =	sshrl.u32 s11, $0x3  }
0x46: {  	s13 =	sand.u32 $0x7, s11;
	s12 =	sadd.s32 s3, s12  }
0x47: {  	[tilespmem:s9], [sflag:$0x2] =	stream.linear.gather [hbm4b:s12+s13], $0x80, $0x38;
	[tilespmem:$0x8100] =	vst v63  }
.LBB2_11:
0x48: {  	s2 =	simm.s32 $0x3  }
0x49: {  	_ =	swait.ge [sflag:s2], $0x4000  }
0x4a: {  	[sflag:s2] =	ssyncset.done $0x0  }
0x4b: {  	[sflag:s2] =	ssyncadd.s32 $0xFFFFC000  }
0x4c: {  	_ =	sfence.sel $0x180000  }
0x4d: {  	s3 =	simm.s32 $0x2;
	[bflag:$0x0] =	sbarrier.arrive $0xFFFF  }
0x4e: {  	[sflag:s3] =	ssyncpa.u1 $0x1  }
0x4f: {  	s31 =	simm.s32 $0x1;
	[sflag:s2] =	ssyncpa.u1 $0x1  }
0x50: {  	[sflag:s31] =	ssyncpa.u1 $0x1  }
0x51: {  	p0 =	sne.s32 s1, $0x0;
	_ =	strace $0x90000047  }
0x52: {  	s0 =	sadd.s32 @!p0 $0x100000, s0;
	[bflag:$0x2] =	sbarrier.arrive $0xFFFF  }
0x53: {  	[sflag:s0] =	ssyncadd.tile.s32 @!p0 $0x1;
	_ =	shalt  }
.Lfunc_end2:
_tile_overlayer_lowered:
.L_overlay_start_2:
0x54: {  	(tag) =	ssettag $0x2  }
0x55: {  	s0 =	rddreg [dreg:$0x0];
	s2 =	stileid.u32  }
0x56: {  	s1 =	rddreg [dreg:$0x1];
	p0 =	sne.s32 s2, $0x0  }
0x57: {  	s3 =	rddreg [dreg:$0x2];
	[bflag:$0x3] =	sbarrier.arrive $0xFFFF;
	s2 =	simm.s32 @!p0 $0x1C01  }
0x58: {  	[timem:s3], [sflag:s2] =	dma.local @!p0 [hbm:s0], s1  }
0x59: {  	s0 =	simm.s32 @!p0 $0x1  }
0x5a: {  	_ =	swait.ge @!p0 [sflag:s0], s1  }
0x5b: {  	s1 =	ssub.s32 @!p0 $0x0, s1;
	[sflag:s0] =	ssyncset.done @!p0 $0x0  }
0x5c: {  	[sflag:s0] =	ssyncadd.s32 @!p0 s1  }
0x5d: {  	[bflag:$0x3] =	sbarrier.arrive $0xFFFF  }
0x5e: {  	_ =	shalt  }

</sc_bundles>
